<compile_context>
chip_gen: v7x
topology: tpu7x:2x2x1
jax: 0.10.2.dev20260603
libtpu: 0.0.44.dev20260713+nightly
codegen_flags: <defaults>
</compile_context>

<pallas_src>
import functools

import jax
import jax.numpy as jnp
from jax import lax
from jax.experimental import pallas as pl
from jax.experimental.pallas import tpu as pltpu
from jax.experimental.pallas import tpu_sc as plsc

_BQ = 1024
_BF = 512
_QP = 7168
_BQ3 = 512


def _sdiv(x, y):
    return x / jnp.where(jnp.abs(y) < 1e-12, 1e-12, y)


def _closest_faithful(px, py, pz, ax, ay, az, bx, by, bz, cx, cy, cz):
    abx = bx - ax
    aby = by - ay
    abz = bz - az
    acx = cx - ax
    acy = cy - ay
    acz = cz - az
    apx = px - ax
    apy = py - ay
    apz = pz - az
    d1 = abx * apx + aby * apy + abz * apz
    d2 = acx * apx + acy * apy + acz * apz
    bpx = px - bx
    bpy = py - by
    bpz = pz - bz
    d3 = abx * bpx + aby * bpy + abz * bpz
    d4 = acx * bpx + acy * bpy + acz * bpz
    cpx = px - cx
    cpy = py - cy
    cpz = pz - cz
    d5 = abx * cpx + aby * cpy + abz * cpz
    d6 = acx * cpx + acy * cpy + acz * cpz
    va = d3 * d6 - d5 * d4
    vb = d5 * d2 - d1 * d6
    vc = d1 * d4 - d3 * d2
    denom = va + vb + vc
    v_int = _sdiv(vb, denom)
    w_int = _sdiv(vc, denom)
    rx = ax + abx * v_int + acx * w_int
    ry = ay + aby * v_int + acy * w_int
    rz = az + abz * v_int + acz * w_int
    d43 = d4 - d3
    d56 = d5 - d6
    w_bc = _sdiv(d43, d43 + d56)
    cond = (va <= 0) & (d43 >= 0) & (d56 >= 0)
    rx = jnp.where(cond, bx + (cx - bx) * w_bc, rx)
    ry = jnp.where(cond, by + (cy - by) * w_bc, ry)
    rz = jnp.where(cond, bz + (cz - bz) * w_bc, rz)
    w_ac = _sdiv(d2, d2 - d6)
    cond = (vb <= 0) & (d2 >= 0) & (d6 <= 0)
    rx = jnp.where(cond, ax + acx * w_ac, rx)
    ry = jnp.where(cond, ay + acy * w_ac, ry)
    rz = jnp.where(cond, az + acz * w_ac, rz)
    v_ab = _sdiv(d1, d1 - d3)
    cond = (vc <= 0) & (d1 >= 0) & (d3 <= 0)
    rx = jnp.where(cond, ax + abx * v_ab, rx)
    ry = jnp.where(cond, ay + aby * v_ab, ry)
    rz = jnp.where(cond, az + abz * v_ab, rz)
    cond = (d6 >= 0) & (d5 <= d6)
    rx = jnp.where(cond, cx, rx)
    ry = jnp.where(cond, cy, ry)
    rz = jnp.where(cond, cz, rz)
    cond = (d3 >= 0) & (d4 <= d3)
    rx = jnp.where(cond, bx, rx)
    ry = jnp.where(cond, by, ry)
    rz = jnp.where(cond, bz, rz)
    cond = (d1 <= 0) & (d2 <= 0)
    rx = jnp.where(cond, ax, rx)
    ry = jnp.where(cond, ay, ry)
    rz = jnp.where(cond, az, rz)
    dist = (rx - px) ** 2 + (ry - py) ** 2 + (rz - pz) ** 2
    return rx, ry, rz, dist



def _scan_kernel(px_r, py_r, pz_r, tri_r, d2_r, idx_r):
    fi = pl.program_id(1)
    bf = tri_r.shape[1]

    @pl.when(fi == 0)
    def _init():
        d2_r[...] = jnp.full_like(d2_r, jnp.inf)
        idx_r[...] = jnp.zeros_like(idx_r)

    ax = tri_r[0:1, :]
    ay = tri_r[1:2, :]
    az = tri_r[2:3, :]
    bx = tri_r[3:4, :]
    by = tri_r[4:5, :]
    bz = tri_r[5:6, :]
    cx = tri_r[6:7, :]
    cy = tri_r[7:8, :]
    cz = tri_r[8:9, :]
    px = px_r[...]
    py = py_r[...]
    pz = pz_r[...]

    _, _, _, dist = _closest_faithful(px, py, pz, ax, ay, az,
                                      bx, by, bz, cx, cy, cz)

    lane = lax.broadcasted_iota(jnp.int32, (1, bf), 1)
    m = jnp.min(dist, axis=1, keepdims=True)
    loc = jnp.min(jnp.where(dist == m, lane, jnp.int32(2**30)),
                  axis=1, keepdims=True)
    gidx = fi * bf + loc

    best = d2_r[...]
    better = m < best
    d2_r[...] = jnp.where(better, m, best)
    idx_r[...] = jnp.where(better, gidx, idx_r[...])


def _stage1(px, py, pz, tri9, fp):
    grid = (_QP // _BQ, fp // _BF)
    return pl.pallas_call(
        _scan_kernel,
        grid=grid,
        in_specs=[
            pl.BlockSpec((_BQ, 1), lambda qi, fi: (qi, 0)),
            pl.BlockSpec((_BQ, 1), lambda qi, fi: (qi, 0)),
            pl.BlockSpec((_BQ, 1), lambda qi, fi: (qi, 0)),
            pl.BlockSpec((16, _BF), lambda qi, fi: (0, fi)),
        ],
        out_specs=[
            pl.BlockSpec((_BQ, 1), lambda qi, fi: (qi, 0)),
            pl.BlockSpec((_BQ, 1), lambda qi, fi: (qi, 0)),
        ],
        out_shape=[
            jax.ShapeDtypeStruct((_QP, 1), jnp.float32),
            jax.ShapeDtypeStruct((_QP, 1), jnp.int32),
        ],
        compiler_params=pltpu.CompilerParams(
            dimension_semantics=("parallel", "arbitrary"),
        ),
    )(px, py, pz, tri9)



def _sc_gather(tri16, irows):
    mesh = plsc.VectorSubcoreMesh(core_axis_name="c", subcore_axis_name="s")

    @functools.partial(
        pl.kernel,
        mesh=mesh,
        out_type=jax.ShapeDtypeStruct((_QP, 128), jnp.float32),
        scratch_types=[
            pltpu.VMEM((112,), jnp.int32),
            pltpu.VMEM((112, 128), jnp.float32),
            pltpu.SemaphoreType.DMA,
        ],
    )
    def k(tri_hbm, idx_hbm, rows_hbm, idx_v, rows_v, sem):
        wid = lax.axis_index("s") * 2 + lax.axis_index("c")
        for j in range(2):
            r = wid * 2 + j
            pltpu.sync_copy(idx_hbm.at[r], idx_v)
            pltpu.async_copy(tri_hbm.at[idx_v], rows_v, sem).wait()
            pltpu.sync_copy(rows_v, rows_hbm.at[pl.ds(r * 112, 112)])

    return k(tri16, irows)



def _final_kernel(px_r, py_r, pz_r, rows_r, cp_r):
    px = px_r[...]
    py = py_r[...]
    pz = pz_r[...]
    rows = rows_r[...]
    rx, ry, rz, _ = _closest_faithful(
        px, py, pz,
        rows[:, 0:1], rows[:, 1:2], rows[:, 2:3],
        rows[:, 3:4], rows[:, 4:5], rows[:, 5:6],
        rows[:, 6:7], rows[:, 7:8], rows[:, 8:9])
    cp_r[...] = jnp.concatenate([rx, ry, rz], axis=1)


def _stage3(px, py, pz, rows):
    grid = (_QP // _BQ3,)
    return pl.pallas_call(
        _final_kernel,
        grid=grid,
        in_specs=[
            pl.BlockSpec((_BQ3, 1), lambda qi: (qi, 0)),
            pl.BlockSpec((_BQ3, 1), lambda qi: (qi, 0)),
            pl.BlockSpec((_BQ3, 1), lambda qi: (qi, 0)),
            pl.BlockSpec((_BQ3, 128), lambda qi: (qi, 0)),
        ],
        out_specs=pl.BlockSpec((_BQ3, 3), lambda qi: (qi, 0)),
        out_shape=jax.ShapeDtypeStruct((_QP, 3), jnp.float32),
    )(px, py, pz, rows)



def kernel(triangles, points):
    _, nf, _, _ = triangles.shape
    nq = points.shape[1]
    fp = pl.cdiv(nf, _BF) * _BF

    tri_flat = triangles[0].reshape(nf, 9)
    tri9 = jnp.pad(tri_flat.T, ((0, 7), (0, fp - nf)),
                   constant_values=1e8)
    tri16 = jnp.pad(tri_flat, ((0, 0), (0, 119)))
    pts = jnp.pad(points[0], ((0, _QP - nq), (0, 0)))
    px = pts[:, 0:1]
    py = pts[:, 1:2]
    pz = pts[:, 2:3]

    d2, idx = _stage1(px, py, pz, tri9, fp)

    rows = _sc_gather(tri16, idx.reshape(64, 112))
    cp = _stage3(px, py, pz, rows)

    distances = d2[:nq, 0][None]
    closest_points = cp[:nq][None]
    closest_faces = idx[:nq, 0][None]
    return distances, closest_points, closest_faces

# --- scband reference (transcript-rebuilt; emitter-appended) ---
"""Pipeline reference for scband-bvh-37649683317091 (READ-ONLY COPY).

The authoritative reference and input builder live on the scoring server;
editing this copy changes nothing except your own understanding.
"""

import jax, jax.numpy as jnp
import numpy as np


def _safe_div(x, y):
    return x / jnp.where(jnp.abs(y) < 1e-12, 1e-12, y)


def _closest_point_on_triangles(p, a, b, c):
    # p: [3]; a, b, c: [F, 3]. Ericson 'Real-Time Collision Detection' closest point on triangle.
    ab = b - a
    ac = c - a
    ap = p[None, :] - a
    d1 = jnp.sum(ab * ap, axis=-1)
    d2 = jnp.sum(ac * ap, axis=-1)
    bp = p[None, :] - b
    d3 = jnp.sum(ab * bp, axis=-1)
    d4 = jnp.sum(ac * bp, axis=-1)
    cp_ = p[None, :] - c
    d5 = jnp.sum(ab * cp_, axis=-1)
    d6 = jnp.sum(ac * cp_, axis=-1)
    va = d3 * d6 - d5 * d4
    vb = d5 * d2 - d1 * d6
    vc = d1 * d4 - d3 * d2
    # interior region (lowest priority)
    denom = va + vb + vc
    v_int = _safe_div(vb, denom)
    w_int = _safe_div(vc, denom)
    res = a + ab * v_int[:, None] + ac * w_int[:, None]
    # edge BC
    w_bc = _safe_div(d4 - d3, (d4 - d3) + (d5 - d6))
    cond_bc = (va <= 0) & ((d4 - d3) >= 0) & ((d5 - d6) >= 0)
    res = jnp.where(cond_bc[:, None], b + (c - b) * w_bc[:, None], res)
    # edge AC
    w_ac = _safe_div(d2, d2 - d6)
    cond_ac = (vb <= 0) & (d2 >= 0) & (d6 <= 0)
    res = jnp.where(cond_ac[:, None], a + ac * w_ac[:, None], res)
    # edge AB
    v_ab = _safe_div(d1, d1 - d3)
    cond_ab = (vc <= 0) & (d1 >= 0) & (d3 <= 0)
    res = jnp.where(cond_ab[:, None], a + ab * v_ab[:, None], res)
    # vertex regions (highest priority)
    res = jnp.where(((d6 >= 0) & (d5 <= d6))[:, None], c, res)
    res = jnp.where(((d3 >= 0) & (d4 <= d3))[:, None], b, res)
    res = jnp.where(((d1 <= 0) & (d2 <= 0))[:, None], a, res)
    return res


def setup_inputs(seed: int = 0) -> dict:
    key = jax.random.key(seed)
    k1, k2 = jax.random.split(key)
    triangles = jax.random.normal(k1, (1, 13776, 3, 3), dtype=jnp.float32)
    points = jax.random.normal(k2, (1, 6890, 3), dtype=jnp.float32)
    return {"triangles": triangles, "points": points}


def reference(triangles, points):
    # Faithful brute-force equivalent of bvh_distance_queries_cuda.distance_queries:
    # returns (squared distances [B, Q], closest surface points [B, Q, 3], closest face ids [B, Q]).
    def per_batch(tris, pts):
        a = tris[:, 0, :]
        b = tris[:, 1, :]
        c = tris[:, 2, :]

        def per_point(p):
            cp = _closest_point_on_triangles(p, a, b, c)  # [F, 3]
            d2 = jnp.sum((cp - p[None, :]) ** 2, axis=-1)  # [F]
            idx = jnp.argmin(d2)
            return d2[idx], cp[idx], idx.astype(jnp.int64)

        return jax.lax.map(per_point, pts)

    distances, closest_points, closest_faces = jax.vmap(per_batch)(triangles, points)
    return distances, closest_points, closest_faces

if __name__ == "__main__":
    import jax
    _d = setup_inputs()
    print(jax.jit(kernel)(*tuple(_d.values())))

</pallas_src>

<mosaic_0001>
#map = affine_map<(d0, d1) -> (0, 0)>
module attributes {stable_mosaic.version = 14 : i64} {
  func.func @k(%arg0: i32, %arg1: i32, %arg2: memref<13776x128xf32, #tpu.memory_space<hbm>>, %arg3: memref<64x112xi32, #tpu.memory_space<hbm>>, %arg4: memref<7168x128xf32, #tpu.memory_space<hbm>>, %arg5: memref<112xi32, #tpu.memory_space<vmem>>, %arg6: memref<112x128xf32, #tpu.memory_space<vmem>>, %arg7: memref<!tpu.dma_semaphore, #tpu.memory_space<semaphore_mem>>) attributes {dimension_semantics = [#tpu.dimension_semantics<core_parallel>, #tpu.dimension_semantics<subcore_parallel>], iteration_bounds = array<i64: 2, 16>, scalar_prefetch = 0 : i64, scratch_operands = 3 : i64, tpu.core_type = #tpu.core_type<sc_vector_subcore>, window_params = [{transform_indices = #map}, {transform_indices = #map}, {transform_indices = #map}]} {
    %mul3A = arith.constant 2 : i32
    %mul3A_0 = arith.muli %arg1, %mul3A : i32
    %add3A = arith.addi %mul3A_0, %arg0 : i32
    %mul3A_1 = arith.constant 2 : i32
    %mul3A_2 = arith.muli %add3A, %mul3A_1 : i32
    %add3A_3 = arith.constant 0 : i32
    %add3A_4 = arith.addi %mul3A_2, %add3A_3 : i32
    "tpu.region"() ({
      %run_scoped3A = tpu.sem_alloc : memref<!tpu.dma_semaphore, #tpu.memory_space<semaphore_mem>>
      %dma_start3A_23 = arith.constant 0 : i32
      %dma_start3A_24 = tpu.memref_slice %arg3[%add3A_4, %dma_start3A_23] : memref<64x112xi32, #tpu.memory_space<hbm>> -> memref<1x112xi32, #tpu.memory_space<hbm>>
      %dma_start3A_25 = tpu.memref_squeeze %dma_start3A_24 : memref<1x112xi32, #tpu.memory_space<hbm>> -> memref<112xi32, #tpu.memory_space<hbm>>
      %dma_start3A_26 = arith.constant 0 : i32
      %dma_start3A_27 = tpu.memref_slice %arg3[%add3A_4, %dma_start3A_26] : memref<64x112xi32, #tpu.memory_space<hbm>> -> memref<1x112xi32, #tpu.memory_space<hbm>>
      %dma_start3A_28 = tpu.memref_squeeze %dma_start3A_27 : memref<1x112xi32, #tpu.memory_space<hbm>> -> memref<112xi32, #tpu.memory_space<hbm>>
      tpu.enqueue_dma source(%dma_start3A_28 : memref<112xi32, #tpu.memory_space<hbm>>) target(%arg5 : memref<112xi32, #tpu.memory_space<vmem>>) target_semaphore(%run_scoped3A : memref<!tpu.dma_semaphore, #tpu.memory_space<semaphore_mem>>)
      %dma_wait3A_29 = arith.constant 0 : i32
      %dma_wait3A_30 = tpu.memref_slice %arg3[%add3A_4, %dma_wait3A_29] : memref<64x112xi32, #tpu.memory_space<hbm>> -> memref<1x112xi32, #tpu.memory_space<hbm>>
      %dma_wait3A_31 = tpu.memref_squeeze %dma_wait3A_30 : memref<1x112xi32, #tpu.memory_space<hbm>> -> memref<112xi32, #tpu.memory_space<hbm>>
      %dma_wait3A_32 = arith.constant 0 : i32
      %dma_wait3A_33 = tpu.memref_slice %arg3[%add3A_4, %dma_wait3A_32] : memref<64x112xi32, #tpu.memory_space<hbm>> -> memref<1x112xi32, #tpu.memory_space<hbm>>
      %dma_wait3A_34 = tpu.memref_squeeze %dma_wait3A_33 : memref<1x112xi32, #tpu.memory_space<hbm>> -> memref<112xi32, #tpu.memory_space<hbm>>
      tpu.wait_dma2 semaphore(%run_scoped3A : memref<!tpu.dma_semaphore, #tpu.memory_space<semaphore_mem>>) src(%dma_wait3A_34 : memref<112xi32, #tpu.memory_space<hbm>>) dst(%arg5 : memref<112xi32, #tpu.memory_space<vmem>>)
      tpu.yield
    }) : () -> ()
    %dma_start3A = arith.constant 0 : i32
    %dma_start3A_5 = arith.constant 0 : i32
    %dma_start3A_6 = tpu.memref_slice %arg2[%dma_start3A, %dma_start3A_5] : memref<13776x128xf32, #tpu.memory_space<hbm>> -> memref<13776x128xf32, #tpu.memory_space<hbm>>
    tpu.enqueue_indirect_dma source(%dma_start3A_6 : memref<13776x128xf32, #tpu.memory_space<hbm>>) target(%arg6 : memref<112x128xf32, #tpu.memory_space<vmem>>) offsets(%arg5 : memref<112xi32, #tpu.memory_space<vmem>>) semaphore(%arg7 : memref<!tpu.dma_semaphore, #tpu.memory_space<semaphore_mem>>)
    %dma_wait3A = arith.constant 0 : i32
    %dma_wait3A_7 = arith.constant 0 : i32
    %dma_wait3A_8 = tpu.memref_slice %arg2[%dma_wait3A, %dma_wait3A_7] : memref<13776x128xf32, #tpu.memory_space<hbm>> -> memref<13776x128xf32, #tpu.memory_space<hbm>>
    tpu.wait_indirect_dma semaphore(%arg7 : memref<!tpu.dma_semaphore, #tpu.memory_space<semaphore_mem>>) src(%dma_wait3A_8 : memref<13776x128xf32, #tpu.memory_space<hbm>>) dst(%arg6 : memref<112x128xf32, #tpu.memory_space<vmem>>)
    %mul3A_9 = arith.constant 112 : i32
    %mul3A_10 = arith.muli %add3A_4, %mul3A_9 : i32
    "tpu.region"() ({
      %run_scoped3A = tpu.sem_alloc : memref<!tpu.dma_semaphore, #tpu.memory_space<semaphore_mem>>
      %dma_start3A_23 = arith.constant 0 : i32
      %dma_start3A_24 = tpu.memref_slice %arg4[%mul3A_10, %dma_start3A_23] : memref<7168x128xf32, #tpu.memory_space<hbm>> -> memref<112x128xf32, #tpu.memory_space<hbm>>
      %dma_start3A_25 = arith.constant 0 : i32
      %dma_start3A_26 = tpu.memref_slice %arg4[%mul3A_10, %dma_start3A_25] : memref<7168x128xf32, #tpu.memory_space<hbm>> -> memref<112x128xf32, #tpu.memory_space<hbm>>
      tpu.enqueue_dma source(%arg6 : memref<112x128xf32, #tpu.memory_space<vmem>>) target(%dma_start3A_26 : memref<112x128xf32, #tpu.memory_space<hbm>>) target_semaphore(%run_scoped3A : memref<!tpu.dma_semaphore, #tpu.memory_space<semaphore_mem>>)
      %dma_wait3A_27 = arith.constant 0 : i32
      %dma_wait3A_28 = tpu.memref_slice %arg4[%mul3A_10, %dma_wait3A_27] : memref<7168x128xf32, #tpu.memory_space<hbm>> -> memref<112x128xf32, #tpu.memory_space<hbm>>
      %dma_wait3A_29 = arith.constant 0 : i32
      %dma_wait3A_30 = tpu.memref_slice %arg4[%mul3A_10, %dma_wait3A_29] : memref<7168x128xf32, #tpu.memory_space<hbm>> -> memref<112x128xf32, #tpu.memory_space<hbm>>
      tpu.wait_dma2 semaphore(%run_scoped3A : memref<!tpu.dma_semaphore, #tpu.memory_space<semaphore_mem>>) src(%arg6 : memref<112x128xf32, #tpu.memory_space<vmem>>) dst(%dma_wait3A_30 : memref<112x128xf32, #tpu.memory_space<hbm>>)
      tpu.yield
    }) : () -> ()
    %mul3A_11 = arith.constant 2 : i32
    %mul3A_12 = arith.muli %add3A, %mul3A_11 : i32
    %add3A_13 = arith.constant 1 : i32
    %add3A_14 = arith.addi %mul3A_12, %add3A_13 : i32
    "tpu.region"() ({
      %run_scoped3A = tpu.sem_alloc : memref<!tpu.dma_semaphore, #tpu.memory_space<semaphore_mem>>
      %dma_start3A_23 = arith.constant 0 : i32
      %dma_start3A_24 = tpu.memref_slice %arg3[%add3A_14, %dma_start3A_23] : memref<64x112xi32, #tpu.memory_space<hbm>> -> memref<1x112xi32, #tpu.memory_space<hbm>>
      %dma_start3A_25 = tpu.memref_squeeze %dma_start3A_24 : memref<1x112xi32, #tpu.memory_space<hbm>> -> memref<112xi32, #tpu.memory_space<hbm>>
      %dma_start3A_26 = arith.constant 0 : i32
      %dma_start3A_27 = tpu.memref_slice %arg3[%add3A_14, %dma_start3A_26] : memref<64x112xi32, #tpu.memory_space<hbm>> -> memref<1x112xi32, #tpu.memory_space<hbm>>
      %dma_start3A_28 = tpu.memref_squeeze %dma_start3A_27 : memref<1x112xi32, #tpu.memory_space<hbm>> -> memref<112xi32, #tpu.memory_space<hbm>>
      tpu.enqueue_dma source(%dma_start3A_28 : memref<112xi32, #tpu.memory_space<hbm>>) target(%arg5 : memref<112xi32, #tpu.memory_space<vmem>>) target_semaphore(%run_scoped3A : memref<!tpu.dma_semaphore, #tpu.memory_space<semaphore_mem>>)
      %dma_wait3A_29 = arith.constant 0 : i32
      %dma_wait3A_30 = tpu.memref_slice %arg3[%add3A_14, %dma_wait3A_29] : memref<64x112xi32, #tpu.memory_space<hbm>> -> memref<1x112xi32, #tpu.memory_space<hbm>>
      %dma_wait3A_31 = tpu.memref_squeeze %dma_wait3A_30 : memref<1x112xi32, #tpu.memory_space<hbm>> -> memref<112xi32, #tpu.memory_space<hbm>>
      %dma_wait3A_32 = arith.constant 0 : i32
      %dma_wait3A_33 = tpu.memref_slice %arg3[%add3A_14, %dma_wait3A_32] : memref<64x112xi32, #tpu.memory_space<hbm>> -> memref<1x112xi32, #tpu.memory_space<hbm>>
      %dma_wait3A_34 = tpu.memref_squeeze %dma_wait3A_33 : memref<1x112xi32, #tpu.memory_space<hbm>> -> memref<112xi32, #tpu.memory_space<hbm>>
      tpu.wait_dma2 semaphore(%run_scoped3A : memref<!tpu.dma_semaphore, #tpu.memory_space<semaphore_mem>>) src(%dma_wait3A_34 : memref<112xi32, #tpu.memory_space<hbm>>) dst(%arg5 : memref<112xi32, #tpu.memory_space<vmem>>)
      tpu.yield
    }) : () -> ()
    %dma_start3A_15 = arith.constant 0 : i32
    %dma_start3A_16 = arith.constant 0 : i32
    %dma_start3A_17 = tpu.memref_slice %arg2[%dma_start3A_15, %dma_start3A_16] : memref<13776x128xf32, #tpu.memory_space<hbm>> -> memref<13776x128xf32, #tpu.memory_space<hbm>>
    tpu.enqueue_indirect_dma source(%dma_start3A_17 : memref<13776x128xf32, #tpu.memory_space<hbm>>) target(%arg6 : memref<112x128xf32, #tpu.memory_space<vmem>>) offsets(%arg5 : memref<112xi32, #tpu.memory_space<vmem>>) semaphore(%arg7 : memref<!tpu.dma_semaphore, #tpu.memory_space<semaphore_mem>>)
    %dma_wait3A_18 = arith.constant 0 : i32
    %dma_wait3A_19 = arith.constant 0 : i32
    %dma_wait3A_20 = tpu.memref_slice %arg2[%dma_wait3A_18, %dma_wait3A_19] : memref<13776x128xf32, #tpu.memory_space<hbm>> -> memref<13776x128xf32, #tpu.memory_space<hbm>>
    tpu.wait_indirect_dma semaphore(%arg7 : memref<!tpu.dma_semaphore, #tpu.memory_space<semaphore_mem>>) src(%dma_wait3A_20 : memref<13776x128xf32, #tpu.memory_space<hbm>>) dst(%arg6 : memref<112x128xf32, #tpu.memory_space<vmem>>)
    %mul3A_21 = arith.constant 112 : i32
    %mul3A_22 = arith.muli %add3A_14, %mul3A_21 : i32
    "tpu.region"() ({
      %run_scoped3A = tpu.sem_alloc : memref<!tpu.dma_semaphore, #tpu.memory_space<semaphore_mem>>
      %dma_start3A_23 = arith.constant 0 : i32
      %dma_start3A_24 = tpu.memref_slice %arg4[%mul3A_22, %dma_start3A_23] : memref<7168x128xf32, #tpu.memory_space<hbm>> -> memref<112x128xf32, #tpu.memory_space<hbm>>
      %dma_start3A_25 = arith.constant 0 : i32
      %dma_start3A_26 = tpu.memref_slice %arg4[%mul3A_22, %dma_start3A_25] : memref<7168x128xf32, #tpu.memory_space<hbm>> -> memref<112x128xf32, #tpu.memory_space<hbm>>
      tpu.enqueue_dma source(%arg6 : memref<112x128xf32, #tpu.memory_space<vmem>>) target(%dma_start3A_26 : memref<112x128xf32, #tpu.memory_space<hbm>>) target_semaphore(%run_scoped3A : memref<!tpu.dma_semaphore, #tpu.memory_space<semaphore_mem>>)
      %dma_wait3A_27 = arith.constant 0 : i32
      %dma_wait3A_28 = tpu.memref_slice %arg4[%mul3A_22, %dma_wait3A_27] : memref<7168x128xf32, #tpu.memory_space<hbm>> -> memref<112x128xf32, #tpu.memory_space<hbm>>
      %dma_wait3A_29 = arith.constant 0 : i32
      %dma_wait3A_30 = tpu.memref_slice %arg4[%mul3A_22, %dma_wait3A_29] : memref<7168x128xf32, #tpu.memory_space<hbm>> -> memref<112x128xf32, #tpu.memory_space<hbm>>
      tpu.wait_dma2 semaphore(%run_scoped3A : memref<!tpu.dma_semaphore, #tpu.memory_space<semaphore_mem>>) src(%arg6 : memref<112x128xf32, #tpu.memory_space<vmem>>) dst(%dma_wait3A_30 : memref<112x128xf32, #tpu.memory_space<hbm>>)
      tpu.yield
    }) : () -> ()
    return
  }
}

module attributes {stable_mosaic.version = 14 : i64} {
  func.func @_scan_kernel(%arg0: i32, %arg1: i32, %arg2: memref<1024x1xf32, #tpu.memory_space<vmem>>, %arg3: memref<1024x1xf32, #tpu.memory_space<vmem>>, %arg4: memref<1024x1xf32, #tpu.memory_space<vmem>>, %arg5: memref<16x512xf32, #tpu.memory_space<vmem>>, %arg6: memref<1024x1xf32, #tpu.memory_space<vmem>>, %arg7: memref<1024x1xi32, #tpu.memory_space<vmem>>) attributes {dimension_semantics = [#tpu.dimension_semantics<parallel>, #tpu.dimension_semantics<arbitrary>], iteration_bounds = array<i64: 7, 27>, scalar_prefetch = 0 : i64, scratch_operands = 0 : i64, tpu.core_type = #tpu.core_type<tc>, window_params = [{transform_indices = @transform_0, window_bounds = array<i64: 1024, 1>}, {transform_indices = @transform_1, window_bounds = array<i64: 1024, 1>}, {transform_indices = @transform_2, window_bounds = array<i64: 1024, 1>}, {transform_indices = @transform_3, window_bounds = array<i64: 16, 512>}, {transform_indices = @transform_4, window_bounds = array<i64: 1024, 1>}, {transform_indices = @transform_5, window_bounds = array<i64: 1024, 1>}]} {
    %eq3A = arith.constant 0 : i32
    %eq3A_0 = arith.cmpi eq, %arg1, %eq3A : i32
    %convert_element_type3A = arith.extui %eq3A_0 : i1 to i32
    %cond3A = arith.constant 0 : i32
    %cond3A_1 = arith.cmpi ne, %convert_element_type3A, %cond3A : i32
    scf.if %cond3A_1 {
      %broadcast_in_dim3A_348 = arith.constant 0x7F800000 : f32
      %broadcast_in_dim3A_349 = vector.broadcast %broadcast_in_dim3A_348 : f32 to vector<1024x1xf32>
      %swap3A_350 = arith.constant 0 : index
      %swap3A_351 = arith.constant 0 : index
      %swap3A_352 = vector.load %arg6[%swap3A_350, %swap3A_351] : memref<1024x1xf32, #tpu.memory_space<vmem>>, vector<1024x1xf32>
      tpu.vector_store %arg6[%swap3A_350, %swap3A_351], %broadcast_in_dim3A_349 {strides = array<i32>} : memref<1024x1xf32, #tpu.memory_space<vmem>>, vector<1024x1xf32>,
      %broadcast_in_dim3A_353 = arith.constant 0 : i32
      %broadcast_in_dim3A_354 = vector.broadcast %broadcast_in_dim3A_353 : i32 to vector<1024x1xi32>
      %swap3A_355 = arith.constant 0 : index
      %swap3A_356 = arith.constant 0 : index
      %swap3A_357 = vector.load %arg7[%swap3A_355, %swap3A_356] : memref<1024x1xi32, #tpu.memory_space<vmem>>, vector<1024x1xi32>
      tpu.vector_store %arg7[%swap3A_355, %swap3A_356], %broadcast_in_dim3A_354 {strides = array<i32>} : memref<1024x1xi32, #tpu.memory_space<vmem>>, vector<1024x1xi32>,
    } else {
    }
    %get3A = arith.constant 0 : index
    %get3A_2 = arith.constant 0 : index
    %get3A_3 = vector.load %arg5[%get3A, %get3A_2] : memref<16x512xf32, #tpu.memory_space<vmem>>, vector<1x512xf32>
    %get3A_4 = arith.constant 1 : index
    %get3A_5 = arith.constant 0 : index
    %get3A_6 = vector.load %arg5[%get3A_4, %get3A_5] : memref<16x512xf32, #tpu.memory_space<vmem>>, vector<1x512xf32>
    %get3A_7 = arith.constant 2 : index
    %get3A_8 = arith.constant 0 : index
    %get3A_9 = vector.load %arg5[%get3A_7, %get3A_8] : memref<16x512xf32, #tpu.memory_space<vmem>>, vector<1x512xf32>
    %get3A_10 = arith.constant 3 : index
    %get3A_11 = arith.constant 0 : index
    %get3A_12 = vector.load %arg5[%get3A_10, %get3A_11] : memref<16x512xf32, #tpu.memory_space<vmem>>, vector<1x512xf32>
    %get3A_13 = arith.constant 4 : index
    %get3A_14 = arith.constant 0 : index
    %get3A_15 = vector.load %arg5[%get3A_13, %get3A_14] : memref<16x512xf32, #tpu.memory_space<vmem>>, vector<1x512xf32>
    %get3A_16 = arith.constant 5 : index
    %get3A_17 = arith.constant 0 : index
    %get3A_18 = vector.load %arg5[%get3A_16, %get3A_17] : memref<16x512xf32, #tpu.memory_space<vmem>>, vector<1x512xf32>
    %get3A_19 = arith.constant 6 : index
    %get3A_20 = arith.constant 0 : index
    %get3A_21 = vector.load %arg5[%get3A_19, %get3A_20] : memref<16x512xf32, #tpu.memory_space<vmem>>, vector<1x512xf32>
    %get3A_22 = arith.constant 7 : index
    %get3A_23 = arith.constant 0 : index
    %get3A_24 = vector.load %arg5[%get3A_22, %get3A_23] : memref<16x512xf32, #tpu.memory_space<vmem>>, vector<1x512xf32>
    %get3A_25 = arith.constant 8 : index
    %get3A_26 = arith.constant 0 : index
    %get3A_27 = vector.load %arg5[%get3A_25, %get3A_26] : memref<16x512xf32, #tpu.memory_space<vmem>>, vector<1x512xf32>
    %get3A_28 = arith.constant 0 : index
    %get3A_29 = arith.constant 0 : index
    %get3A_30 = vector.load %arg2[%get3A_28, %get3A_29] : memref<1024x1xf32, #tpu.memory_space<vmem>>, vector<1024x1xf32>
    %get3A_31 = arith.constant 0 : index
    %get3A_32 = arith.constant 0 : index
    %get3A_33 = vector.load %arg3[%get3A_31, %get3A_32] : memref<1024x1xf32, #tpu.memory_space<vmem>>, vector<1024x1xf32>
    %get3A_34 = arith.constant 0 : index
    %get3A_35 = arith.constant 0 : index
    %get3A_36 = vector.load %arg4[%get3A_34, %get3A_35] : memref<1024x1xf32, #tpu.memory_space<vmem>>, vector<1024x1xf32>
    %sub3A = arith.subf %get3A_12, %get3A_3 : vector<1x512xf32>
    %sub3A_37 = arith.subf %get3A_15, %get3A_6 : vector<1x512xf32>
    %sub3A_38 = arith.subf %get3A_18, %get3A_9 : vector<1x512xf32>
    %sub3A_39 = arith.subf %get3A_21, %get3A_3 : vector<1x512xf32>
    %sub3A_40 = arith.subf %get3A_24, %get3A_6 : vector<1x512xf32>
    %sub3A_41 = arith.subf %get3A_27, %get3A_9 : vector<1x512xf32>
    %sub3A_42 = vector.broadcast %get3A_30 : vector<1024x1xf32> to vector<1024x512xf32>
    %sub3A_43 = vector.broadcast %get3A_3 : vector<1x512xf32> to vector<1024x512xf32>
    %sub3A_44 = arith.subf %sub3A_42, %sub3A_43 : vector<1024x512xf32>
    %sub3A_45 = vector.broadcast %get3A_33 : vector<1024x1xf32> to vector<1024x512xf32>
    %sub3A_46 = vector.broadcast %get3A_6 : vector<1x512xf32> to vector<1024x512xf32>
    %sub3A_47 = arith.subf %sub3A_45, %sub3A_46 : vector<1024x512xf32>
    %sub3A_48 = vector.broadcast %get3A_36 : vector<1024x1xf32> to vector<1024x512xf32>
    %sub3A_49 = vector.broadcast %get3A_9 : vector<1x512xf32> to vector<1024x512xf32>
    %sub3A_50 = arith.subf %sub3A_48, %sub3A_49 : vector<1024x512xf32>
    %mul3A = vector.broadcast %sub3A : vector<1x512xf32> to vector<1024x512xf32>
    %mul3A_51 = arith.mulf %mul3A, %sub3A_44 : vector<1024x512xf32>
    %mul3A_52 = vector.broadcast %sub3A_37 : vector<1x512xf32> to vector<1024x512xf32>
    %mul3A_53 = arith.mulf %mul3A_52, %sub3A_47 : vector<1024x512xf32>
    %add3A = arith.addf %mul3A_51, %mul3A_53 : vector<1024x512xf32>
    %mul3A_54 = vector.broadcast %sub3A_38 : vector<1x512xf32> to vector<1024x512xf32>
    %mul3A_55 = arith.mulf %mul3A_54, %sub3A_50 : vector<1024x512xf32>
    %add3A_56 = arith.addf %add3A, %mul3A_55 : vector<1024x512xf32>
    %mul3A_57 = vector.broadcast %sub3A_39 : vector<1x512xf32> to vector<1024x512xf32>
    %mul3A_58 = arith.mulf %mul3A_57, %sub3A_44 : vector<1024x512xf32>
    %mul3A_59 = vector.broadcast %sub3A_40 : vector<1x512xf32> to vector<1024x512xf32>
    %mul3A_60 = arith.mulf %mul3A_59, %sub3A_47 : vector<1024x512xf32>
    %add3A_61 = arith.addf %mul3A_58, %mul3A_60 : vector<1024x512xf32>
    %mul3A_62 = vector.broadcast %sub3A_41 : vector<1x512xf32> to vector<1024x512xf32>
    %mul3A_63 = arith.mulf %mul3A_62, %sub3A_50 : vector<1024x512xf32>
    %add3A_64 = arith.addf %add3A_61, %mul3A_63 : vector<1024x512xf32>
    %sub3A_65 = vector.broadcast %get3A_30 : vector<1024x1xf32> to vector<1024x512xf32>
    %sub3A_66 = vector.broadcast %get3A_12 : vector<1x512xf32> to vector<1024x512xf32>
    %sub3A_67 = arith.subf %sub3A_65, %sub3A_66 : vector<1024x512xf32>
    %sub3A_68 = vector.broadcast %get3A_33 : vector<1024x1xf32> to vector<1024x512xf32>
    %sub3A_69 = vector.broadcast %get3A_15 : vector<1x512xf32> to vector<1024x512xf32>
    %sub3A_70 = arith.subf %sub3A_68, %sub3A_69 : vector<1024x512xf32>
    %sub3A_71 = vector.broadcast %get3A_36 : vector<1024x1xf32> to vector<1024x512xf32>
    %sub3A_72 = vector.broadcast %get3A_18 : vector<1x512xf32> to vector<1024x512xf32>
    %sub3A_73 = arith.subf %sub3A_71, %sub3A_72 : vector<1024x512xf32>
    %mul3A_74 = vector.broadcast %sub3A : vector<1x512xf32> to vector<1024x512xf32>
    %mul3A_75 = arith.mulf %mul3A_74, %sub3A_67 : vector<1024x512xf32>
    %mul3A_76 = vector.broadcast %sub3A_37 : vector<1x512xf32> to vector<1024x512xf32>
    %mul3A_77 = arith.mulf %mul3A_76, %sub3A_70 : vector<1024x512xf32>
    %add3A_78 = arith.addf %mul3A_75, %mul3A_77 : vector<1024x512xf32>
    %mul3A_79 = vector.broadcast %sub3A_38 : vector<1x512xf32> to vector<1024x512xf32>
    %mul3A_80 = arith.mulf %mul3A_79, %sub3A_73 : vector<1024x512xf32>
    %add3A_81 = arith.addf %add3A_78, %mul3A_80 : vector<1024x512xf32>
    %mul3A_82 = vector.broadcast %sub3A_39 : vector<1x512xf32> to vector<1024x512xf32>
    %mul3A_83 = arith.mulf %mul3A_82, %sub3A_67 : vector<1024x512xf32>
    %mul3A_84 = vector.broadcast %sub3A_40 : vector<1x512xf32> to vector<1024x512xf32>
    %mul3A_85 = arith.mulf %mul3A_84, %sub3A_70 : vector<1024x512xf32>
    %add3A_86 = arith.addf %mul3A_83, %mul3A_85 : vector<1024x512xf32>
    %mul3A_87 = vector.broadcast %sub3A_41 : vector<1x512xf32> to vector<1024x512xf32>
    %mul3A_88 = arith.mulf %mul3A_87, %sub3A_73 : vector<1024x512xf32>
    %add3A_89 = arith.addf %add3A_86, %mul3A_88 : vector<1024x512xf32>
    %sub3A_90 = vector.broadcast %get3A_30 : vector<1024x1xf32> to vector<1024x512xf32>
    %sub3A_91 = vector.broadcast %get3A_21 : vector<1x512xf32> to vector<1024x512xf32>
    %sub3A_92 = arith.subf %sub3A_90, %sub3A_91 : vector<1024x512xf32>
    %sub3A_93 = vector.broadcast %get3A_33 : vector<1024x1xf32> to vector<1024x512xf32>
    %sub3A_94 = vector.broadcast %get3A_24 : vector<1x512xf32> to vector<1024x512xf32>
    %sub3A_95 = arith.subf %sub3A_93, %sub3A_94 : vector<1024x512xf32>
    %sub3A_96 = vector.broadcast %get3A_36 : vector<1024x1xf32> to vector<1024x512xf32>
    %sub3A_97 = vector.broadcast %get3A_27 : vector<1x512xf32> to vector<1024x512xf32>
    %sub3A_98 = arith.subf %sub3A_96, %sub3A_97 : vector<1024x512xf32>
    %mul3A_99 = vector.broadcast %sub3A : vector<1x512xf32> to vector<1024x512xf32>
    %mul3A_100 = arith.mulf %mul3A_99, %sub3A_92 : vector<1024x512xf32>
    %mul3A_101 = vector.broadcast %sub3A_37 : vector<1x512xf32> to vector<1024x512xf32>
    %mul3A_102 = arith.mulf %mul3A_101, %sub3A_95 : vector<1024x512xf32>
    %add3A_103 = arith.addf %mul3A_100, %mul3A_102 : vector<1024x512xf32>
    %mul3A_104 = vector.broadcast %sub3A_38 : vector<1x512xf32> to vector<1024x512xf32>
    %mul3A_105 = arith.mulf %mul3A_104, %sub3A_98 : vector<1024x512xf32>
    %add3A_106 = arith.addf %add3A_103, %mul3A_105 : vector<1024x512xf32>
    %mul3A_107 = vector.broadcast %sub3A_39 : vector<1x512xf32> to vector<1024x512xf32>
    %mul3A_108 = arith.mulf %mul3A_107, %sub3A_92 : vector<1024x512xf32>
    %mul3A_109 = vector.broadcast %sub3A_40 : vector<1x512xf32> to vector<1024x512xf32>
    %mul3A_110 = arith.mulf %mul3A_109, %sub3A_95 : vector<1024x512xf32>
    %add3A_111 = arith.addf %mul3A_108, %mul3A_110 : vector<1024x512xf32>
    %mul3A_112 = vector.broadcast %sub3A_41 : vector<1x512xf32> to vector<1024x512xf32>
    %mul3A_113 = arith.mulf %mul3A_112, %sub3A_98 : vector<1024x512xf32>
    %add3A_114 = arith.addf %add3A_111, %mul3A_113 : vector<1024x512xf32>
    %mul3A_115 = arith.mulf %add3A_81, %add3A_114 : vector<1024x512xf32>
    %mul3A_116 = arith.mulf %add3A_106, %add3A_89 : vector<1024x512xf32>
    %sub3A_117 = arith.subf %mul3A_115, %mul3A_116 : vector<1024x512xf32>
    %mul3A_118 = arith.mulf %add3A_106, %add3A_64 : vector<1024x512xf32>
    %mul3A_119 = arith.mulf %add3A_56, %add3A_114 : vector<1024x512xf32>
    %sub3A_120 = arith.subf %mul3A_118, %mul3A_119 : vector<1024x512xf32>
    %mul3A_121 = arith.mulf %add3A_56, %add3A_89 : vector<1024x512xf32>
    %mul3A_122 = arith.mulf %add3A_81, %add3A_64 : vector<1024x512xf32>
    %sub3A_123 = arith.subf %mul3A_121, %mul3A_122 : vector<1024x512xf32>
    %add3A_124 = arith.addf %sub3A_117, %sub3A_120 : vector<1024x512xf32>
    %add3A_125 = arith.addf %add3A_124, %sub3A_123 : vector<1024x512xf32>
    %abs3A = math.absf %add3A_125 : vector<1024x512xf32>
    %lt3A = arith.constant 9.99999996E-13 : f32
    %lt3A_126 = vector.broadcast %lt3A : f32 to vector<1024x512xf32>
    %lt3A_127 = arith.cmpf olt, %abs3A, %lt3A_126 : vector<1024x512xf32>
    %jit3A = arith.constant 9.99999996E-13 : f32
    %broadcast_in_dim3A = vector.broadcast %jit3A : f32 to vector<1024x512xf32>
    %select_n3A = arith.select %lt3A_127, %broadcast_in_dim3A, %add3A_125 : vector<1024x512xi1>, vector<1024x512xf32>
    %div3A = arith.divf %sub3A_120, %select_n3A : vector<1024x512xf32>
    %abs3A_128 = math.absf %add3A_125 : vector<1024x512xf32>
    %lt3A_129 = arith.constant 9.99999996E-13 : f32
    %lt3A_130 = vector.broadcast %lt3A_129 : f32 to vector<1024x512xf32>
    %lt3A_131 = arith.cmpf olt, %abs3A_128, %lt3A_130 : vector<1024x512xf32>
    %jit3A_132 = arith.constant 9.99999996E-13 : f32
    %broadcast_in_dim3A_133 = vector.broadcast %jit3A_132 : f32 to vector<1024x512xf32>
    %select_n3A_134 = arith.select %lt3A_131, %broadcast_in_dim3A_133, %add3A_125 : vector<1024x512xi1>, vector<1024x512xf32>
    %div3A_135 = arith.divf %sub3A_123, %select_n3A_134 : vector<1024x512xf32>
    %mul3A_136 = vector.broadcast %sub3A : vector<1x512xf32> to vector<1024x512xf32>
    %mul3A_137 = arith.mulf %mul3A_136, %div3A : vector<1024x512xf32>
    %add3A_138 = vector.broadcast %get3A_3 : vector<1x512xf32> to vector<1024x512xf32>
    %add3A_139 = arith.addf %add3A_138, %mul3A_137 : vector<1024x512xf32>
    %mul3A_140 = vector.broadcast %sub3A_39 : vector<1x512xf32> to vector<1024x512xf32>
    %mul3A_141 = arith.mulf %mul3A_140, %div3A_135 : vector<1024x512xf32>
    %add3A_142 = arith.addf %add3A_139, %mul3A_141 : vector<1024x512xf32>
    %mul3A_143 = vector.broadcast %sub3A_37 : vector<1x512xf32> to vector<1024x512xf32>
    %mul3A_144 = arith.mulf %mul3A_143, %div3A : vector<1024x512xf32>
    %add3A_145 = vector.broadcast %get3A_6 : vector<1x512xf32> to vector<1024x512xf32>
    %add3A_146 = arith.addf %add3A_145, %mul3A_144 : vector<1024x512xf32>
    %mul3A_147 = vector.broadcast %sub3A_40 : vector<1x512xf32> to vector<1024x512xf32>
    %mul3A_148 = arith.mulf %mul3A_147, %div3A_135 : vector<1024x512xf32>
    %add3A_149 = arith.addf %add3A_146, %mul3A_148 : vector<1024x512xf32>
    %mul3A_150 = vector.broadcast %sub3A_38 : vector<1x512xf32> to vector<1024x512xf32>
    %mul3A_151 = arith.mulf %mul3A_150, %div3A : vector<1024x512xf32>
    %add3A_152 = vector.broadcast %get3A_9 : vector<1x512xf32> to vector<1024x512xf32>
    %add3A_153 = arith.addf %add3A_152, %mul3A_151 : vector<1024x512xf32>
    %mul3A_154 = vector.broadcast %sub3A_41 : vector<1x512xf32> to vector<1024x512xf32>
    %mul3A_155 = arith.mulf %mul3A_154, %div3A_135 : vector<1024x512xf32>
    %add3A_156 = arith.addf %add3A_153, %mul3A_155 : vector<1024x512xf32>
    %sub3A_157 = arith.subf %add3A_89, %add3A_81 : vector<1024x512xf32>
    %sub3A_158 = arith.subf %add3A_106, %add3A_114 : vector<1024x512xf32>
    %add3A_159 = arith.addf %sub3A_157, %sub3A_158 : vector<1024x512xf32>
    %abs3A_160 = math.absf %add3A_159 : vector<1024x512xf32>
    %lt3A_161 = arith.constant 9.99999996E-13 : f32
    %lt3A_162 = vector.broadcast %lt3A_161 : f32 to vector<1024x512xf32>
    %lt3A_163 = arith.cmpf olt, %abs3A_160, %lt3A_162 : vector<1024x512xf32>
    %jit3A_164 = arith.constant 9.99999996E-13 : f32
    %broadcast_in_dim3A_165 = vector.broadcast %jit3A_164 : f32 to vector<1024x512xf32>
    %select_n3A_166 = arith.select %lt3A_163, %broadcast_in_dim3A_165, %add3A_159 : vector<1024x512xi1>, vector<1024x512xf32>
    %div3A_167 = arith.divf %sub3A_157, %select_n3A_166 : vector<1024x512xf32>
    %le3A = arith.constant 0.000000e+00 : f32
    %le3A_168 = vector.broadcast %le3A : f32 to vector<1024x512xf32>
    %le3A_169 = arith.cmpf ole, %sub3A_117, %le3A_168 : vector<1024x512xf32>
    %ge3A = arith.constant 0.000000e+00 : f32
    %ge3A_170 = vector.broadcast %ge3A : f32 to vector<1024x512xf32>
    %ge3A_171 = arith.cmpf oge, %sub3A_157, %ge3A_170 : vector<1024x512xf32>
    %and3A = arith.andi %le3A_169, %ge3A_171 : vector<1024x512xi1>
    %ge3A_172 = arith.constant 0.000000e+00 : f32
    %ge3A_173 = vector.broadcast %ge3A_172 : f32 to vector<1024x512xf32>
    %ge3A_174 = arith.cmpf oge, %sub3A_158, %ge3A_173 : vector<1024x512xf32>
    %and3A_175 = arith.andi %and3A, %ge3A_174 : vector<1024x512xi1>
    %sub3A_176 = arith.subf %get3A_21, %get3A_12 : vector<1x512xf32>
    %mul3A_177 = vector.broadcast %sub3A_176 : vector<1x512xf32> to vector<1024x512xf32>
    %mul3A_178 = arith.mulf %mul3A_177, %div3A_167 : vector<1024x512xf32>
    %add3A_179 = vector.broadcast %get3A_12 : vector<1x512xf32> to vector<1024x512xf32>
    %add3A_180 = arith.addf %add3A_179, %mul3A_178 : vector<1024x512xf32>
    %select_n3A_181 = arith.select %and3A_175, %add3A_180, %add3A_142 : vector<1024x512xi1>, vector<1024x512xf32>
    %sub3A_182 = arith.subf %get3A_24, %get3A_15 : vector<1x512xf32>
    %mul3A_183 = vector.broadcast %sub3A_182 : vector<1x512xf32> to vector<1024x512xf32>
    %mul3A_184 = arith.mulf %mul3A_183, %div3A_167 : vector<1024x512xf32>
    %add3A_185 = vector.broadcast %get3A_15 : vector<1x512xf32> to vector<1024x512xf32>
    %add3A_186 = arith.addf %add3A_185, %mul3A_184 : vector<1024x512xf32>
    %select_n3A_187 = arith.select %and3A_175, %add3A_186, %add3A_149 : vector<1024x512xi1>, vector<1024x512xf32>
    %sub3A_188 = arith.subf %get3A_27, %get3A_18 : vector<1x512xf32>
    %mul3A_189 = vector.broadcast %sub3A_188 : vector<1x512xf32> to vector<1024x512xf32>
    %mul3A_190 = arith.mulf %mul3A_189, %div3A_167 : vector<1024x512xf32>
    %add3A_191 = vector.broadcast %get3A_18 : vector<1x512xf32> to vector<1024x512xf32>
    %add3A_192 = arith.addf %add3A_191, %mul3A_190 : vector<1024x512xf32>
    %select_n3A_193 = arith.select %and3A_175, %add3A_192, %add3A_156 : vector<1024x512xi1>, vector<1024x512xf32>
    %sub3A_194 = arith.subf %add3A_64, %add3A_114 : vector<1024x512xf32>
    %abs3A_195 = math.absf %sub3A_194 : vector<1024x512xf32>
    %lt3A_196 = arith.constant 9.99999996E-13 : f32
    %lt3A_197 = vector.broadcast %lt3A_196 : f32 to vector<1024x512xf32>
    %lt3A_198 = arith.cmpf olt, %abs3A_195, %lt3A_197 : vector<1024x512xf32>
    %jit3A_199 = arith.constant 9.99999996E-13 : f32
    %broadcast_in_dim3A_200 = vector.broadcast %jit3A_199 : f32 to vector<1024x512xf32>
    %select_n3A_201 = arith.select %lt3A_198, %broadcast_in_dim3A_200, %sub3A_194 : vector<1024x512xi1>, vector<1024x512xf32>
    %div3A_202 = arith.divf %add3A_64, %select_n3A_201 : vector<1024x512xf32>
    %le3A_203 = arith.constant 0.000000e+00 : f32
    %le3A_204 = vector.broadcast %le3A_203 : f32 to vector<1024x512xf32>
    %le3A_205 = arith.cmpf ole, %sub3A_120, %le3A_204 : vector<1024x512xf32>
    %ge3A_206 = arith.constant 0.000000e+00 : f32
    %ge3A_207 = vector.broadcast %ge3A_206 : f32 to vector<1024x512xf32>
    %ge3A_208 = arith.cmpf oge, %add3A_64, %ge3A_207 : vector<1024x512xf32>
    %and3A_209 = arith.andi %le3A_205, %ge3A_208 : vector<1024x512xi1>
    %le3A_210 = arith.constant 0.000000e+00 : f32
    %le3A_211 = vector.broadcast %le3A_210 : f32 to vector<1024x512xf32>
    %le3A_212 = arith.cmpf ole, %add3A_114, %le3A_211 : vector<1024x512xf32>
    %and3A_213 = arith.andi %and3A_209, %le3A_212 : vector<1024x512xi1>
    %mul3A_214 = vector.broadcast %sub3A_39 : vector<1x512xf32> to vector<1024x512xf32>
    %mul3A_215 = arith.mulf %mul3A_214, %div3A_202 : vector<1024x512xf32>
    %add3A_216 = vector.broadcast %get3A_3 : vector<1x512xf32> to vector<1024x512xf32>
    %add3A_217 = arith.addf %add3A_216, %mul3A_215 : vector<1024x512xf32>
    %select_n3A_218 = arith.select %and3A_213, %add3A_217, %select_n3A_181 : vector<1024x512xi1>, vector<1024x512xf32>
    %mul3A_219 = vector.broadcast %sub3A_40 : vector<1x512xf32> to vector<1024x512xf32>
    %mul3A_220 = arith.mulf %mul3A_219, %div3A_202 : vector<1024x512xf32>
    %add3A_221 = vector.broadcast %get3A_6 : vector<1x512xf32> to vector<1024x512xf32>
    %add3A_222 = arith.addf %add3A_221, %mul3A_220 : vector<1024x512xf32>
    %select_n3A_223 = arith.select %and3A_213, %add3A_222, %select_n3A_187 : vector<1024x512xi1>, vector<1024x512xf32>
    %mul3A_224 = vector.broadcast %sub3A_41 : vector<1x512xf32> to vector<1024x512xf32>
    %mul3A_225 = arith.mulf %mul3A_224, %div3A_202 : vector<1024x512xf32>
    %add3A_226 = vector.broadcast %get3A_9 : vector<1x512xf32> to vector<1024x512xf32>
    %add3A_227 = arith.addf %add3A_226, %mul3A_225 : vector<1024x512xf32>
    %select_n3A_228 = arith.select %and3A_213, %add3A_227, %select_n3A_193 : vector<1024x512xi1>, vector<1024x512xf32>
    %sub3A_229 = arith.subf %add3A_56, %add3A_81 : vector<1024x512xf32>
    %abs3A_230 = math.absf %sub3A_229 : vector<1024x512xf32>
    %lt3A_231 = arith.constant 9.99999996E-13 : f32
    %lt3A_232 = vector.broadcast %lt3A_231 : f32 to vector<1024x512xf32>
    %lt3A_233 = arith.cmpf olt, %abs3A_230, %lt3A_232 : vector<1024x512xf32>
    %jit3A_234 = arith.constant 9.99999996E-13 : f32
    %broadcast_in_dim3A_235 = vector.broadcast %jit3A_234 : f32 to vector<1024x512xf32>
    %select_n3A_236 = arith.select %lt3A_233, %broadcast_in_dim3A_235, %sub3A_229 : vector<1024x512xi1>, vector<1024x512xf32>
    %div3A_237 = arith.divf %add3A_56, %select_n3A_236 : vector<1024x512xf32>
    %le3A_238 = arith.constant 0.000000e+00 : f32
    %le3A_239 = vector.broadcast %le3A_238 : f32 to vector<1024x512xf32>
    %le3A_240 = arith.cmpf ole, %sub3A_123, %le3A_239 : vector<1024x512xf32>
    %ge3A_241 = arith.constant 0.000000e+00 : f32
    %ge3A_242 = vector.broadcast %ge3A_241 : f32 to vector<1024x512xf32>
    %ge3A_243 = arith.cmpf oge, %add3A_56, %ge3A_242 : vector<1024x512xf32>
    %and3A_244 = arith.andi %le3A_240, %ge3A_243 : vector<1024x512xi1>
    %le3A_245 = arith.constant 0.000000e+00 : f32
    %le3A_246 = vector.broadcast %le3A_245 : f32 to vector<1024x512xf32>
    %le3A_247 = arith.cmpf ole, %add3A_81, %le3A_246 : vector<1024x512xf32>
    %and3A_248 = arith.andi %and3A_244, %le3A_247 : vector<1024x512xi1>
    %mul3A_249 = vector.broadcast %sub3A : vector<1x512xf32> to vector<1024x512xf32>
    %mul3A_250 = arith.mulf %mul3A_249, %div3A_237 : vector<1024x512xf32>
    %add3A_251 = vector.broadcast %get3A_3 : vector<1x512xf32> to vector<1024x512xf32>
    %add3A_252 = arith.addf %add3A_251, %mul3A_250 : vector<1024x512xf32>
    %select_n3A_253 = arith.select %and3A_248, %add3A_252, %select_n3A_218 : vector<1024x512xi1>, vector<1024x512xf32>
    %mul3A_254 = vector.broadcast %sub3A_37 : vector<1x512xf32> to vector<1024x512xf32>
    %mul3A_255 = arith.mulf %mul3A_254, %div3A_237 : vector<1024x512xf32>
    %add3A_256 = vector.broadcast %get3A_6 : vector<1x512xf32> to vector<1024x512xf32>
    %add3A_257 = arith.addf %add3A_256, %mul3A_255 : vector<1024x512xf32>
    %select_n3A_258 = arith.select %and3A_248, %add3A_257, %select_n3A_223 : vector<1024x512xi1>, vector<1024x512xf32>
    %mul3A_259 = vector.broadcast %sub3A_38 : vector<1x512xf32> to vector<1024x512xf32>
    %mul3A_260 = arith.mulf %mul3A_259, %div3A_237 : vector<1024x512xf32>
    %add3A_261 = vector.broadcast %get3A_9 : vector<1x512xf32> to vector<1024x512xf32>
    %add3A_262 = arith.addf %add3A_261, %mul3A_260 : vector<1024x512xf32>
    %select_n3A_263 = arith.select %and3A_248, %add3A_262, %select_n3A_228 : vector<1024x512xi1>, vector<1024x512xf32>
    %ge3A_264 = arith.constant 0.000000e+00 : f32
    %ge3A_265 = vector.broadcast %ge3A_264 : f32 to vector<1024x512xf32>
    %ge3A_266 = arith.cmpf oge, %add3A_114, %ge3A_265 : vector<1024x512xf32>
    %le3A_267 = arith.cmpf ole, %add3A_106, %add3A_114 : vector<1024x512xf32>
    %and3A_268 = arith.andi %ge3A_266, %le3A_267 : vector<1024x512xi1>
    %broadcast_in_dim3A_269 = vector.shape_cast %get3A_21 : vector<1x512xf32> to vector<1x512xf32>
    %broadcast_in_dim3A_270 = vector.broadcast %broadcast_in_dim3A_269 : vector<1x512xf32> to vector<1024x512xf32>
    %select_n3A_271 = arith.select %and3A_268, %broadcast_in_dim3A_270, %select_n3A_253 : vector<1024x512xi1>, vector<1024x512xf32>
    %broadcast_in_dim3A_272 = vector.shape_cast %get3A_24 : vector<1x512xf32> to vector<1x512xf32>
    %broadcast_in_dim3A_273 = vector.broadcast %broadcast_in_dim3A_272 : vector<1x512xf32> to vector<1024x512xf32>
    %select_n3A_274 = arith.select %and3A_268, %broadcast_in_dim3A_273, %select_n3A_258 : vector<1024x512xi1>, vector<1024x512xf32>
    %broadcast_in_dim3A_275 = vector.shape_cast %get3A_27 : vector<1x512xf32> to vector<1x512xf32>
    %broadcast_in_dim3A_276 = vector.broadcast %broadcast_in_dim3A_275 : vector<1x512xf32> to vector<1024x512xf32>
    %select_n3A_277 = arith.select %and3A_268, %broadcast_in_dim3A_276, %select_n3A_263 : vector<1024x512xi1>, vector<1024x512xf32>
    %ge3A_278 = arith.constant 0.000000e+00 : f32
    %ge3A_279 = vector.broadcast %ge3A_278 : f32 to vector<1024x512xf32>
    %ge3A_280 = arith.cmpf oge, %add3A_81, %ge3A_279 : vector<1024x512xf32>
    %le3A_281 = arith.cmpf ole, %add3A_89, %add3A_81 : vector<1024x512xf32>
    %and3A_282 = arith.andi %ge3A_280, %le3A_281 : vector<1024x512xi1>
    %broadcast_in_dim3A_283 = vector.shape_cast %get3A_12 : vector<1x512xf32> to vector<1x512xf32>
    %broadcast_in_dim3A_284 = vector.broadcast %broadcast_in_dim3A_283 : vector<1x512xf32> to vector<1024x512xf32>
    %select_n3A_285 = arith.select %and3A_282, %broadcast_in_dim3A_284, %select_n3A_271 : vector<1024x512xi1>, vector<1024x512xf32>
    %broadcast_in_dim3A_286 = vector.shape_cast %get3A_15 : vector<1x512xf32> to vector<1x512xf32>
    %broadcast_in_dim3A_287 = vector.broadcast %broadcast_in_dim3A_286 : vector<1x512xf32> to vector<1024x512xf32>
    %select_n3A_288 = arith.select %and3A_282, %broadcast_in_dim3A_287, %select_n3A_274 : vector<1024x512xi1>, vector<1024x512xf32>
    %broadcast_in_dim3A_289 = vector.shape_cast %get3A_18 : vector<1x512xf32> to vector<1x512xf32>
    %broadcast_in_dim3A_290 = vector.broadcast %broadcast_in_dim3A_289 : vector<1x512xf32> to vector<1024x512xf32>
    %select_n3A_291 = arith.select %and3A_282, %broadcast_in_dim3A_290, %select_n3A_277 : vector<1024x512xi1>, vector<1024x512xf32>
    %le3A_292 = arith.constant 0.000000e+00 : f32
    %le3A_293 = vector.broadcast %le3A_292 : f32 to vector<1024x512xf32>
    %le3A_294 = arith.cmpf ole, %add3A_56, %le3A_293 : vector<1024x512xf32>
    %le3A_295 = arith.constant 0.000000e+00 : f32
    %le3A_296 = vector.broadcast %le3A_295 : f32 to vector<1024x512xf32>
    %le3A_297 = arith.cmpf ole, %add3A_64, %le3A_296 : vector<1024x512xf32>
    %and3A_298 = arith.andi %le3A_294, %le3A_297 : vector<1024x512xi1>
    %broadcast_in_dim3A_299 = vector.shape_cast %get3A_3 : vector<1x512xf32> to vector<1x512xf32>
    %broadcast_in_dim3A_300 = vector.broadcast %broadcast_in_dim3A_299 : vector<1x512xf32> to vector<1024x512xf32>
    %select_n3A_301 = arith.select %and3A_298, %broadcast_in_dim3A_300, %select_n3A_285 : vector<1024x512xi1>, vector<1024x512xf32>
    %broadcast_in_dim3A_302 = vector.shape_cast %get3A_6 : vector<1x512xf32> to vector<1x512xf32>
    %broadcast_in_dim3A_303 = vector.broadcast %broadcast_in_dim3A_302 : vector<1x512xf32> to vector<1024x512xf32>
    %select_n3A_304 = arith.select %and3A_298, %broadcast_in_dim3A_303, %select_n3A_288 : vector<1024x512xi1>, vector<1024x512xf32>
    %broadcast_in_dim3A_305 = vector.shape_cast %get3A_9 : vector<1x512xf32> to vector<1x512xf32>
    %broadcast_in_dim3A_306 = vector.broadcast %broadcast_in_dim3A_305 : vector<1x512xf32> to vector<1024x512xf32>
    %select_n3A_307 = arith.select %and3A_298, %broadcast_in_dim3A_306, %select_n3A_291 : vector<1024x512xi1>, vector<1024x512xf32>
    %sub3A_308 = vector.broadcast %get3A_30 : vector<1024x1xf32> to vector<1024x512xf32>
    %sub3A_309 = arith.subf %select_n3A_301, %sub3A_308 : vector<1024x512xf32>
    %integer_pow3A = arith.mulf %sub3A_309, %sub3A_309 : vector<1024x512xf32>
    %sub3A_310 = vector.broadcast %get3A_33 : vector<1024x1xf32> to vector<1024x512xf32>
    %sub3A_311 = arith.subf %select_n3A_304, %sub3A_310 : vector<1024x512xf32>
    %integer_pow3A_312 = arith.mulf %sub3A_311, %sub3A_311 : vector<1024x512xf32>
    %add3A_313 = arith.addf %integer_pow3A, %integer_pow3A_312 : vector<1024x512xf32>
    %sub3A_314 = vector.broadcast %get3A_36 : vector<1024x1xf32> to vector<1024x512xf32>
    %sub3A_315 = arith.subf %select_n3A_307, %sub3A_314 : vector<1024x512xf32>
    %integer_pow3A_316 = arith.mulf %sub3A_315, %sub3A_315 : vector<1024x512xf32>
    %add3A_317 = arith.addf %add3A_313, %integer_pow3A_316 : vector<1024x512xf32>
    %iota3A = tpu.iota {dimensions = array<i32: 1>} : vector<1x512xi32>
    %reduce_min3A = arith.constant dense<0x7F800000> : vector<1024xf32>
    %reduce_min3A_318 = vector.multi_reduction <minimumf>, %add3A_317, %reduce_min3A [1] : vector<1024x512xf32> to vector<1024xf32>
    %broadcast_in_dim3A_319 = vector.shape_cast %reduce_min3A_318 : vector<1024xf32> to vector<1024x1xf32>
    %eq3A_320 = vector.broadcast %broadcast_in_dim3A_319 : vector<1024x1xf32> to vector<1024x512xf32>
    %eq3A_321 = arith.cmpf oeq, %add3A_317, %eq3A_320 : vector<1024x512xf32>
    %jit3A_322 = arith.constant 1073741824 : i32
    %broadcast_in_dim3A_323 = vector.shape_cast %iota3A : vector<1x512xi32> to vector<1x512xi32>
    %broadcast_in_dim3A_324 = vector.broadcast %broadcast_in_dim3A_323 : vector<1x512xi32> to vector<1024x512xi32>
    %broadcast_in_dim3A_325 = vector.broadcast %jit3A_322 : i32 to vector<1024x512xi32>
    %select_n3A_326 = arith.select %eq3A_321, %broadcast_in_dim3A_324, %broadcast_in_dim3A_325 : vector<1024x512xi1>, vector<1024x512xi32>
    %reduce_min3A_327 = arith.constant dense<2147483647> : vector<1024xi32>
    %reduce_min3A_328 = vector.multi_reduction <minsi>, %select_n3A_326, %reduce_min3A_327 [1] : vector<1024x512xi32> to vector<1024xi32>
    %broadcast_in_dim3A_329 = vector.shape_cast %reduce_min3A_328 : vector<1024xi32> to vector<1024x1xi32>
    %mul3A_330 = arith.constant 512 : i32
    %mul3A_331 = arith.muli %arg1, %mul3A_330 : i32
    %add3A_332 = vector.broadcast %mul3A_331 : i32 to vector<1024x1xi32>
    %add3A_333 = arith.addi %add3A_332, %broadcast_in_dim3A_329 : vector<1024x1xi32>
    %get3A_334 = arith.constant 0 : index
    %get3A_335 = arith.constant 0 : index
    %get3A_336 = vector.load %arg6[%get3A_334, %get3A_335] : memref<1024x1xf32, #tpu.memory_space<vmem>>, vector<1024x1xf32>
    %lt3A_337 = arith.cmpf olt, %broadcast_in_dim3A_319, %get3A_336 : vector<1024x1xf32>
    %select_n3A_338 = arith.select %lt3A_337, %broadcast_in_dim3A_319, %get3A_336 : vector<1024x1xi1>, vector<1024x1xf32>
    %swap3A = arith.constant 0 : index
    %swap3A_339 = arith.constant 0 : index
    %swap3A_340 = vector.load %arg6[%swap3A, %swap3A_339] : memref<1024x1xf32, #tpu.memory_space<vmem>>, vector<1024x1xf32>
    tpu.vector_store %arg6[%swap3A, %swap3A_339], %select_n3A_338 {strides = array<i32>} : memref<1024x1xf32, #tpu.memory_space<vmem>>, vector<1024x1xf32>,
    %get3A_341 = arith.constant 0 : index
    %get3A_342 = arith.constant 0 : index
    %get3A_343 = vector.load %arg7[%get3A_341, %get3A_342] : memref<1024x1xi32, #tpu.memory_space<vmem>>, vector<1024x1xi32>
    %select_n3A_344 = arith.select %lt3A_337, %add3A_333, %get3A_343 : vector<1024x1xi1>, vector<1024x1xi32>
    %swap3A_345 = arith.constant 0 : index
    %swap3A_346 = arith.constant 0 : index
    %swap3A_347 = vector.load %arg7[%swap3A_345, %swap3A_346] : memref<1024x1xi32, #tpu.memory_space<vmem>>, vector<1024x1xi32>
    tpu.vector_store %arg7[%swap3A_345, %swap3A_346], %select_n3A_344 {strides = array<i32>} : memref<1024x1xi32, #tpu.memory_space<vmem>>, vector<1024x1xi32>,
    return
  }
  func.func @transform_0(%arg0: i32, %arg1: i32) -> (i32, i32) {
    %c0_i32 = arith.constant 0 : i32
    %c0_i32_0 = arith.constant 0 : i32
    return %arg0, %c0_i32 : i32, i32
  }
  func.func @transform_1(%arg0: i32, %arg1: i32) -> (i32, i32) {
    %c0_i32 = arith.constant 0 : i32
    %c0_i32_0 = arith.constant 0 : i32
    return %arg0, %c0_i32 : i32, i32
  }
  func.func @transform_2(%arg0: i32, %arg1: i32) -> (i32, i32) {
    %c0_i32 = arith.constant 0 : i32
    %c0_i32_0 = arith.constant 0 : i32
    return %arg0, %c0_i32 : i32, i32
  }
  func.func @transform_3(%arg0: i32, %arg1: i32) -> (i32, i32) {
    %c0_i32 = arith.constant 0 : i32
    %c0_i32_0 = arith.constant 0 : i32
    return %c0_i32, %arg1 : i32, i32
  }
  func.func @transform_4(%arg0: i32, %arg1: i32) -> (i32, i32) {
    %c0_i32 = arith.constant 0 : i32
    %c0_i32_0 = arith.constant 0 : i32
    return %arg0, %c0_i32 : i32, i32
  }
  func.func @transform_5(%arg0: i32, %arg1: i32) -> (i32, i32) {
    %c0_i32 = arith.constant 0 : i32
    %c0_i32_0 = arith.constant 0 : i32
    return %arg0, %c0_i32 : i32, i32
  }
}

module attributes {stable_mosaic.version = 14 : i64} {
  func.func @_final_kernel(%arg0: i32, %arg1: memref<512x1xf32, #tpu.memory_space<vmem>>, %arg2: memref<512x1xf32, #tpu.memory_space<vmem>>, %arg3: memref<512x1xf32, #tpu.memory_space<vmem>>, %arg4: memref<512x128xf32, #tpu.memory_space<vmem>>, %arg5: memref<512x3xf32, #tpu.memory_space<vmem>>) attributes {dimension_semantics = [#tpu.dimension_semantics<arbitrary>], iteration_bounds = array<i64: 14>, scalar_prefetch = 0 : i64, scratch_operands = 0 : i64, tpu.core_type = #tpu.core_type<tc>, window_params = [{transform_indices = @transform_0, window_bounds = array<i64: 512, 1>}, {transform_indices = @transform_1, window_bounds = array<i64: 512, 1>}, {transform_indices = @transform_2, window_bounds = array<i64: 512, 1>}, {transform_indices = @transform_3, window_bounds = array<i64: 512, 128>}, {transform_indices = @transform_4, window_bounds = array<i64: 512, 3>}]} {
    %get3A = arith.constant 0 : index
    %get3A_0 = arith.constant 0 : index
    %get3A_1 = vector.load %arg1[%get3A, %get3A_0] : memref<512x1xf32, #tpu.memory_space<vmem>>, vector<512x1xf32>
    %get3A_2 = arith.constant 0 : index
    %get3A_3 = arith.constant 0 : index
    %get3A_4 = vector.load %arg2[%get3A_2, %get3A_3] : memref<512x1xf32, #tpu.memory_space<vmem>>, vector<512x1xf32>
    %get3A_5 = arith.constant 0 : index
    %get3A_6 = arith.constant 0 : index
    %get3A_7 = vector.load %arg3[%get3A_5, %get3A_6] : memref<512x1xf32, #tpu.memory_space<vmem>>, vector<512x1xf32>
    %get3A_8 = arith.constant 0 : index
    %get3A_9 = arith.constant 0 : index
    %get3A_10 = vector.load %arg4[%get3A_8, %get3A_9] : memref<512x128xf32, #tpu.memory_space<vmem>>, vector<512x128xf32>
    %slice3A = vector.extract_strided_slice %get3A_10 {offsets = [0, 0], sizes = [512, 1], strides = [1, 1]} : vector<512x128xf32> to vector<512x1xf32>
    %slice3A_11 = vector.extract_strided_slice %get3A_10 {offsets = [0, 1], sizes = [512, 1], strides = [1, 1]} : vector<512x128xf32> to vector<512x1xf32>
    %slice3A_12 = vector.extract_strided_slice %get3A_10 {offsets = [0, 2], sizes = [512, 1], strides = [1, 1]} : vector<512x128xf32> to vector<512x1xf32>
    %slice3A_13 = vector.extract_strided_slice %get3A_10 {offsets = [0, 3], sizes = [512, 1], strides = [1, 1]} : vector<512x128xf32> to vector<512x1xf32>
    %slice3A_14 = vector.extract_strided_slice %get3A_10 {offsets = [0, 4], sizes = [512, 1], strides = [1, 1]} : vector<512x128xf32> to vector<512x1xf32>
    %slice3A_15 = vector.extract_strided_slice %get3A_10 {offsets = [0, 5], sizes = [512, 1], strides = [1, 1]} : vector<512x128xf32> to vector<512x1xf32>
    %slice3A_16 = vector.extract_strided_slice %get3A_10 {offsets = [0, 6], sizes = [512, 1], strides = [1, 1]} : vector<512x128xf32> to vector<512x1xf32>
    %slice3A_17 = vector.extract_strided_slice %get3A_10 {offsets = [0, 7], sizes = [512, 1], strides = [1, 1]} : vector<512x128xf32> to vector<512x1xf32>
    %slice3A_18 = vector.extract_strided_slice %get3A_10 {offsets = [0, 8], sizes = [512, 1], strides = [1, 1]} : vector<512x128xf32> to vector<512x1xf32>
    %sub3A = arith.subf %slice3A_13, %slice3A : vector<512x1xf32>
    %sub3A_19 = arith.subf %slice3A_14, %slice3A_11 : vector<512x1xf32>
    %sub3A_20 = arith.subf %slice3A_15, %slice3A_12 : vector<512x1xf32>
    %sub3A_21 = arith.subf %slice3A_16, %slice3A : vector<512x1xf32>
    %sub3A_22 = arith.subf %slice3A_17, %slice3A_11 : vector<512x1xf32>
    %sub3A_23 = arith.subf %slice3A_18, %slice3A_12 : vector<512x1xf32>
    %sub3A_24 = arith.subf %get3A_1, %slice3A : vector<512x1xf32>
    %sub3A_25 = arith.subf %get3A_4, %slice3A_11 : vector<512x1xf32>
    %sub3A_26 = arith.subf %get3A_7, %slice3A_12 : vector<512x1xf32>
    %mul3A = arith.mulf %sub3A, %sub3A_24 : vector<512x1xf32>
    %mul3A_27 = arith.mulf %sub3A_19, %sub3A_25 : vector<512x1xf32>
    %add3A = arith.addf %mul3A, %mul3A_27 : vector<512x1xf32>
    %mul3A_28 = arith.mulf %sub3A_20, %sub3A_26 : vector<512x1xf32>
    %add3A_29 = arith.addf %add3A, %mul3A_28 : vector<512x1xf32>
    %mul3A_30 = arith.mulf %sub3A_21, %sub3A_24 : vector<512x1xf32>
    %mul3A_31 = arith.mulf %sub3A_22, %sub3A_25 : vector<512x1xf32>
    %add3A_32 = arith.addf %mul3A_30, %mul3A_31 : vector<512x1xf32>
    %mul3A_33 = arith.mulf %sub3A_23, %sub3A_26 : vector<512x1xf32>
    %add3A_34 = arith.addf %add3A_32, %mul3A_33 : vector<512x1xf32>
    %sub3A_35 = arith.subf %get3A_1, %slice3A_13 : vector<512x1xf32>
    %sub3A_36 = arith.subf %get3A_4, %slice3A_14 : vector<512x1xf32>
    %sub3A_37 = arith.subf %get3A_7, %slice3A_15 : vector<512x1xf32>
    %mul3A_38 = arith.mulf %sub3A, %sub3A_35 : vector<512x1xf32>
    %mul3A_39 = arith.mulf %sub3A_19, %sub3A_36 : vector<512x1xf32>
    %add3A_40 = arith.addf %mul3A_38, %mul3A_39 : vector<512x1xf32>
    %mul3A_41 = arith.mulf %sub3A_20, %sub3A_37 : vector<512x1xf32>
    %add3A_42 = arith.addf %add3A_40, %mul3A_41 : vector<512x1xf32>
    %mul3A_43 = arith.mulf %sub3A_21, %sub3A_35 : vector<512x1xf32>
    %mul3A_44 = arith.mulf %sub3A_22, %sub3A_36 : vector<512x1xf32>
    %add3A_45 = arith.addf %mul3A_43, %mul3A_44 : vector<512x1xf32>
    %mul3A_46 = arith.mulf %sub3A_23, %sub3A_37 : vector<512x1xf32>
    %add3A_47 = arith.addf %add3A_45, %mul3A_46 : vector<512x1xf32>
    %sub3A_48 = arith.subf %get3A_1, %slice3A_16 : vector<512x1xf32>
    %sub3A_49 = arith.subf %get3A_4, %slice3A_17 : vector<512x1xf32>
    %sub3A_50 = arith.subf %get3A_7, %slice3A_18 : vector<512x1xf32>
    %mul3A_51 = arith.mulf %sub3A, %sub3A_48 : vector<512x1xf32>
    %mul3A_52 = arith.mulf %sub3A_19, %sub3A_49 : vector<512x1xf32>
    %add3A_53 = arith.addf %mul3A_51, %mul3A_52 : vector<512x1xf32>
    %mul3A_54 = arith.mulf %sub3A_20, %sub3A_50 : vector<512x1xf32>
    %add3A_55 = arith.addf %add3A_53, %mul3A_54 : vector<512x1xf32>
    %mul3A_56 = arith.mulf %sub3A_21, %sub3A_48 : vector<512x1xf32>
    %mul3A_57 = arith.mulf %sub3A_22, %sub3A_49 : vector<512x1xf32>
    %add3A_58 = arith.addf %mul3A_56, %mul3A_57 : vector<512x1xf32>
    %mul3A_59 = arith.mulf %sub3A_23, %sub3A_50 : vector<512x1xf32>
    %add3A_60 = arith.addf %add3A_58, %mul3A_59 : vector<512x1xf32>
    %mul3A_61 = arith.mulf %add3A_42, %add3A_60 : vector<512x1xf32>
    %mul3A_62 = arith.mulf %add3A_55, %add3A_47 : vector<512x1xf32>
    %sub3A_63 = arith.subf %mul3A_61, %mul3A_62 : vector<512x1xf32>
    %mul3A_64 = arith.mulf %add3A_55, %add3A_34 : vector<512x1xf32>
    %mul3A_65 = arith.mulf %add3A_29, %add3A_60 : vector<512x1xf32>
    %sub3A_66 = arith.subf %mul3A_64, %mul3A_65 : vector<512x1xf32>
    %mul3A_67 = arith.mulf %add3A_29, %add3A_47 : vector<512x1xf32>
    %mul3A_68 = arith.mulf %add3A_42, %add3A_34 : vector<512x1xf32>
    %sub3A_69 = arith.subf %mul3A_67, %mul3A_68 : vector<512x1xf32>
    %add3A_70 = arith.addf %sub3A_63, %sub3A_66 : vector<512x1xf32>
    %add3A_71 = arith.addf %add3A_70, %sub3A_69 : vector<512x1xf32>
    %abs3A = math.absf %add3A_71 : vector<512x1xf32>
    %lt3A = arith.constant 9.99999996E-13 : f32
    %lt3A_72 = vector.broadcast %lt3A : f32 to vector<512x1xf32>
    %lt3A_73 = arith.cmpf olt, %abs3A, %lt3A_72 : vector<512x1xf32>
    %jit3A = arith.constant 9.99999996E-13 : f32
    %broadcast_in_dim3A = vector.broadcast %jit3A : f32 to vector<512x1xf32>
    %select_n3A = arith.select %lt3A_73, %broadcast_in_dim3A, %add3A_71 : vector<512x1xi1>, vector<512x1xf32>
    %div3A = arith.divf %sub3A_66, %select_n3A : vector<512x1xf32>
    %abs3A_74 = math.absf %add3A_71 : vector<512x1xf32>
    %lt3A_75 = arith.constant 9.99999996E-13 : f32
    %lt3A_76 = vector.broadcast %lt3A_75 : f32 to vector<512x1xf32>
    %lt3A_77 = arith.cmpf olt, %abs3A_74, %lt3A_76 : vector<512x1xf32>
    %jit3A_78 = arith.constant 9.99999996E-13 : f32
    %broadcast_in_dim3A_79 = vector.broadcast %jit3A_78 : f32 to vector<512x1xf32>
    %select_n3A_80 = arith.select %lt3A_77, %broadcast_in_dim3A_79, %add3A_71 : vector<512x1xi1>, vector<512x1xf32>
    %div3A_81 = arith.divf %sub3A_69, %select_n3A_80 : vector<512x1xf32>
    %mul3A_82 = arith.mulf %sub3A, %div3A : vector<512x1xf32>
    %add3A_83 = arith.addf %slice3A, %mul3A_82 : vector<512x1xf32>
    %mul3A_84 = arith.mulf %sub3A_21, %div3A_81 : vector<512x1xf32>
    %add3A_85 = arith.addf %add3A_83, %mul3A_84 : vector<512x1xf32>
    %mul3A_86 = arith.mulf %sub3A_19, %div3A : vector<512x1xf32>
    %add3A_87 = arith.addf %slice3A_11, %mul3A_86 : vector<512x1xf32>
    %mul3A_88 = arith.mulf %sub3A_22, %div3A_81 : vector<512x1xf32>
    %add3A_89 = arith.addf %add3A_87, %mul3A_88 : vector<512x1xf32>
    %mul3A_90 = arith.mulf %sub3A_20, %div3A : vector<512x1xf32>
    %add3A_91 = arith.addf %slice3A_12, %mul3A_90 : vector<512x1xf32>
    %mul3A_92 = arith.mulf %sub3A_23, %div3A_81 : vector<512x1xf32>
    %add3A_93 = arith.addf %add3A_91, %mul3A_92 : vector<512x1xf32>
    %sub3A_94 = arith.subf %add3A_47, %add3A_42 : vector<512x1xf32>
    %sub3A_95 = arith.subf %add3A_55, %add3A_60 : vector<512x1xf32>
    %add3A_96 = arith.addf %sub3A_94, %sub3A_95 : vector<512x1xf32>
    %abs3A_97 = math.absf %add3A_96 : vector<512x1xf32>
    %lt3A_98 = arith.constant 9.99999996E-13 : f32
    %lt3A_99 = vector.broadcast %lt3A_98 : f32 to vector<512x1xf32>
    %lt3A_100 = arith.cmpf olt, %abs3A_97, %lt3A_99 : vector<512x1xf32>
    %jit3A_101 = arith.constant 9.99999996E-13 : f32
    %broadcast_in_dim3A_102 = vector.broadcast %jit3A_101 : f32 to vector<512x1xf32>
    %select_n3A_103 = arith.select %lt3A_100, %broadcast_in_dim3A_102, %add3A_96 : vector<512x1xi1>, vector<512x1xf32>
    %div3A_104 = arith.divf %sub3A_94, %select_n3A_103 : vector<512x1xf32>
    %le3A = arith.constant 0.000000e+00 : f32
    %le3A_105 = vector.broadcast %le3A : f32 to vector<512x1xf32>
    %le3A_106 = arith.cmpf ole, %sub3A_63, %le3A_105 : vector<512x1xf32>
    %ge3A = arith.constant 0.000000e+00 : f32
    %ge3A_107 = vector.broadcast %ge3A : f32 to vector<512x1xf32>
    %ge3A_108 = arith.cmpf oge, %sub3A_94, %ge3A_107 : vector<512x1xf32>
    %and3A = arith.andi %le3A_106, %ge3A_108 : vector<512x1xi1>
    %ge3A_109 = arith.constant 0.000000e+00 : f32
    %ge3A_110 = vector.broadcast %ge3A_109 : f32 to vector<512x1xf32>
    %ge3A_111 = arith.cmpf oge, %sub3A_95, %ge3A_110 : vector<512x1xf32>
    %and3A_112 = arith.andi %and3A, %ge3A_111 : vector<512x1xi1>
    %sub3A_113 = arith.subf %slice3A_16, %slice3A_13 : vector<512x1xf32>
    %mul3A_114 = arith.mulf %sub3A_113, %div3A_104 : vector<512x1xf32>
    %add3A_115 = arith.addf %slice3A_13, %mul3A_114 : vector<512x1xf32>
    %select_n3A_116 = arith.select %and3A_112, %add3A_115, %add3A_85 : vector<512x1xi1>, vector<512x1xf32>
    %sub3A_117 = arith.subf %slice3A_17, %slice3A_14 : vector<512x1xf32>
    %mul3A_118 = arith.mulf %sub3A_117, %div3A_104 : vector<512x1xf32>
    %add3A_119 = arith.addf %slice3A_14, %mul3A_118 : vector<512x1xf32>
    %select_n3A_120 = arith.select %and3A_112, %add3A_119, %add3A_89 : vector<512x1xi1>, vector<512x1xf32>
    %sub3A_121 = arith.subf %slice3A_18, %slice3A_15 : vector<512x1xf32>
    %mul3A_122 = arith.mulf %sub3A_121, %div3A_104 : vector<512x1xf32>
    %add3A_123 = arith.addf %slice3A_15, %mul3A_122 : vector<512x1xf32>
    %select_n3A_124 = arith.select %and3A_112, %add3A_123, %add3A_93 : vector<512x1xi1>, vector<512x1xf32>
    %sub3A_125 = arith.subf %add3A_34, %add3A_60 : vector<512x1xf32>
    %abs3A_126 = math.absf %sub3A_125 : vector<512x1xf32>
    %lt3A_127 = arith.constant 9.99999996E-13 : f32
    %lt3A_128 = vector.broadcast %lt3A_127 : f32 to vector<512x1xf32>
    %lt3A_129 = arith.cmpf olt, %abs3A_126, %lt3A_128 : vector<512x1xf32>
    %jit3A_130 = arith.constant 9.99999996E-13 : f32
    %broadcast_in_dim3A_131 = vector.broadcast %jit3A_130 : f32 to vector<512x1xf32>
    %select_n3A_132 = arith.select %lt3A_129, %broadcast_in_dim3A_131, %sub3A_125 : vector<512x1xi1>, vector<512x1xf32>
    %div3A_133 = arith.divf %add3A_34, %select_n3A_132 : vector<512x1xf32>
    %le3A_134 = arith.constant 0.000000e+00 : f32
    %le3A_135 = vector.broadcast %le3A_134 : f32 to vector<512x1xf32>
    %le3A_136 = arith.cmpf ole, %sub3A_66, %le3A_135 : vector<512x1xf32>
    %ge3A_137 = arith.constant 0.000000e+00 : f32
    %ge3A_138 = vector.broadcast %ge3A_137 : f32 to vector<512x1xf32>
    %ge3A_139 = arith.cmpf oge, %add3A_34, %ge3A_138 : vector<512x1xf32>
    %and3A_140 = arith.andi %le3A_136, %ge3A_139 : vector<512x1xi1>
    %le3A_141 = arith.constant 0.000000e+00 : f32
    %le3A_142 = vector.broadcast %le3A_141 : f32 to vector<512x1xf32>
    %le3A_143 = arith.cmpf ole, %add3A_60, %le3A_142 : vector<512x1xf32>
    %and3A_144 = arith.andi %and3A_140, %le3A_143 : vector<512x1xi1>
    %mul3A_145 = arith.mulf %sub3A_21, %div3A_133 : vector<512x1xf32>
    %add3A_146 = arith.addf %slice3A, %mul3A_145 : vector<512x1xf32>
    %select_n3A_147 = arith.select %and3A_144, %add3A_146, %select_n3A_116 : vector<512x1xi1>, vector<512x1xf32>
    %mul3A_148 = arith.mulf %sub3A_22, %div3A_133 : vector<512x1xf32>
    %add3A_149 = arith.addf %slice3A_11, %mul3A_148 : vector<512x1xf32>
    %select_n3A_150 = arith.select %and3A_144, %add3A_149, %select_n3A_120 : vector<512x1xi1>, vector<512x1xf32>
    %mul3A_151 = arith.mulf %sub3A_23, %div3A_133 : vector<512x1xf32>
    %add3A_152 = arith.addf %slice3A_12, %mul3A_151 : vector<512x1xf32>
    %select_n3A_153 = arith.select %and3A_144, %add3A_152, %select_n3A_124 : vector<512x1xi1>, vector<512x1xf32>
    %sub3A_154 = arith.subf %add3A_29, %add3A_42 : vector<512x1xf32>
    %abs3A_155 = math.absf %sub3A_154 : vector<512x1xf32>
    %lt3A_156 = arith.constant 9.99999996E-13 : f32
    %lt3A_157 = vector.broadcast %lt3A_156 : f32 to vector<512x1xf32>
    %lt3A_158 = arith.cmpf olt, %abs3A_155, %lt3A_157 : vector<512x1xf32>
    %jit3A_159 = arith.constant 9.99999996E-13 : f32
    %broadcast_in_dim3A_160 = vector.broadcast %jit3A_159 : f32 to vector<512x1xf32>
    %select_n3A_161 = arith.select %lt3A_158, %broadcast_in_dim3A_160, %sub3A_154 : vector<512x1xi1>, vector<512x1xf32>
    %div3A_162 = arith.divf %add3A_29, %select_n3A_161 : vector<512x1xf32>
    %le3A_163 = arith.constant 0.000000e+00 : f32
    %le3A_164 = vector.broadcast %le3A_163 : f32 to vector<512x1xf32>
    %le3A_165 = arith.cmpf ole, %sub3A_69, %le3A_164 : vector<512x1xf32>
    %ge3A_166 = arith.constant 0.000000e+00 : f32
    %ge3A_167 = vector.broadcast %ge3A_166 : f32 to vector<512x1xf32>
    %ge3A_168 = arith.cmpf oge, %add3A_29, %ge3A_167 : vector<512x1xf32>
    %and3A_169 = arith.andi %le3A_165, %ge3A_168 : vector<512x1xi1>
    %le3A_170 = arith.constant 0.000000e+00 : f32
    %le3A_171 = vector.broadcast %le3A_170 : f32 to vector<512x1xf32>
    %le3A_172 = arith.cmpf ole, %add3A_42, %le3A_171 : vector<512x1xf32>
    %and3A_173 = arith.andi %and3A_169, %le3A_172 : vector<512x1xi1>
    %mul3A_174 = arith.mulf %sub3A, %div3A_162 : vector<512x1xf32>
    %add3A_175 = arith.addf %slice3A, %mul3A_174 : vector<512x1xf32>
    %select_n3A_176 = arith.select %and3A_173, %add3A_175, %select_n3A_147 : vector<512x1xi1>, vector<512x1xf32>
    %mul3A_177 = arith.mulf %sub3A_19, %div3A_162 : vector<512x1xf32>
    %add3A_178 = arith.addf %slice3A_11, %mul3A_177 : vector<512x1xf32>
    %select_n3A_179 = arith.select %and3A_173, %add3A_178, %select_n3A_150 : vector<512x1xi1>, vector<512x1xf32>
    %mul3A_180 = arith.mulf %sub3A_20, %div3A_162 : vector<512x1xf32>
    %add3A_181 = arith.addf %slice3A_12, %mul3A_180 : vector<512x1xf32>
    %select_n3A_182 = arith.select %and3A_173, %add3A_181, %select_n3A_153 : vector<512x1xi1>, vector<512x1xf32>
    %ge3A_183 = arith.constant 0.000000e+00 : f32
    %ge3A_184 = vector.broadcast %ge3A_183 : f32 to vector<512x1xf32>
    %ge3A_185 = arith.cmpf oge, %add3A_60, %ge3A_184 : vector<512x1xf32>
    %le3A_186 = arith.cmpf ole, %add3A_55, %add3A_60 : vector<512x1xf32>
    %and3A_187 = arith.andi %ge3A_185, %le3A_186 : vector<512x1xi1>
    %select_n3A_188 = arith.select %and3A_187, %slice3A_16, %select_n3A_176 : vector<512x1xi1>, vector<512x1xf32>
    %select_n3A_189 = arith.select %and3A_187, %slice3A_17, %select_n3A_179 : vector<512x1xi1>, vector<512x1xf32>
    %select_n3A_190 = arith.select %and3A_187, %slice3A_18, %select_n3A_182 : vector<512x1xi1>, vector<512x1xf32>
    %ge3A_191 = arith.constant 0.000000e+00 : f32
    %ge3A_192 = vector.broadcast %ge3A_191 : f32 to vector<512x1xf32>
    %ge3A_193 = arith.cmpf oge, %add3A_42, %ge3A_192 : vector<512x1xf32>
    %le3A_194 = arith.cmpf ole, %add3A_47, %add3A_42 : vector<512x1xf32>
    %and3A_195 = arith.andi %ge3A_193, %le3A_194 : vector<512x1xi1>
    %select_n3A_196 = arith.select %and3A_195, %slice3A_13, %select_n3A_188 : vector<512x1xi1>, vector<512x1xf32>
    %select_n3A_197 = arith.select %and3A_195, %slice3A_14, %select_n3A_189 : vector<512x1xi1>, vector<512x1xf32>
    %select_n3A_198 = arith.select %and3A_195, %slice3A_15, %select_n3A_190 : vector<512x1xi1>, vector<512x1xf32>
    %le3A_199 = arith.constant 0.000000e+00 : f32
    %le3A_200 = vector.broadcast %le3A_199 : f32 to vector<512x1xf32>
    %le3A_201 = arith.cmpf ole, %add3A_29, %le3A_200 : vector<512x1xf32>
    %le3A_202 = arith.constant 0.000000e+00 : f32
    %le3A_203 = vector.broadcast %le3A_202 : f32 to vector<512x1xf32>
    %le3A_204 = arith.cmpf ole, %add3A_34, %le3A_203 : vector<512x1xf32>
    %and3A_205 = arith.andi %le3A_201, %le3A_204 : vector<512x1xi1>
    %select_n3A_206 = arith.select %and3A_205, %slice3A, %select_n3A_196 : vector<512x1xi1>, vector<512x1xf32>
    %select_n3A_207 = arith.select %and3A_205, %slice3A_11, %select_n3A_197 : vector<512x1xi1>, vector<512x1xf32>
    %select_n3A_208 = arith.select %and3A_205, %slice3A_12, %select_n3A_198 : vector<512x1xi1>, vector<512x1xf32>
    %concatenate3A = tpu.concatenate %select_n3A_206, %select_n3A_207, %select_n3A_208 in 1 : vector<512x1xf32>, vector<512x1xf32>, vector<512x1xf32> -> vector<512x3xf32>
    %swap3A = arith.constant 0 : index
    %swap3A_209 = arith.constant 0 : index
    %swap3A_210 = vector.load %arg5[%swap3A, %swap3A_209] : memref<512x3xf32, #tpu.memory_space<vmem>>, vector<512x3xf32>
    tpu.vector_store %arg5[%swap3A, %swap3A_209], %concatenate3A {strides = array<i32>} : memref<512x3xf32, #tpu.memory_space<vmem>>, vector<512x3xf32>,
    return
  }
  func.func @transform_0(%arg0: i32) -> (i32, i32) {
    %c0_i32 = arith.constant 0 : i32
    %c0_i32_0 = arith.constant 0 : i32
    return %arg0, %c0_i32 : i32, i32
  }
  func.func @transform_1(%arg0: i32) -> (i32, i32) {
    %c0_i32 = arith.constant 0 : i32
    %c0_i32_0 = arith.constant 0 : i32
    return %arg0, %c0_i32 : i32, i32
  }
  func.func @transform_2(%arg0: i32) -> (i32, i32) {
    %c0_i32 = arith.constant 0 : i32
    %c0_i32_0 = arith.constant 0 : i32
    return %arg0, %c0_i32 : i32, i32
  }
  func.func @transform_3(%arg0: i32) -> (i32, i32) {
    %c0_i32 = arith.constant 0 : i32
    %c0_i32_0 = arith.constant 0 : i32
    return %arg0, %c0_i32 : i32, i32
  }
  func.func @transform_4(%arg0: i32) -> (i32, i32) {
    %c0_i32 = arith.constant 0 : i32
    %c0_i32_0 = arith.constant 0 : i32
    return %arg0, %c0_i32 : i32, i32
  }
}

</mosaic_0001>

<sc_bundles>
// kernel: kernel.5.cloned.1.call-start
scs
__scs_entry_jumppad:
0x0: {  	(pc) =	sbr.rel $0x88, $3  }
0x1: {  	(tag) =	ssettag $0x0;
	lr =	simm.s32 $0x1  }
0x2: {  	[smem:$0x3F9F] =	sst lr;
	_ =	strace $0xD0000000  }
0x3: {  	_ = 	snop  }
0x4: {  	_ = 	snop  }
0x5: {  	_ = 	snop  }
0x6: {  	_ = 	snop  }
0x7: {  	_ = 	snop  }
__scs_overlays_trampoline_lowered:
0x8: {  	[smem:$0x3FAE] =	sst s0  }
0x9: {  	[smem:$0x3FAF] =	sst s1  }
0xa: {  	[smem:$0x3FB0] =	sst s2  }
0xb: {  	[smem:$0x3FB1] =	sst s3  }
0xc: {  	[smem:$0x3FB2] =	sst s4  }
0xd: {  	[smem:$0x3FB3] =	sst s5  }
0xe: {  	[smem:$0x3FB4] =	sst s6  }
0xf: {  	[smem:$0x3FB5] =	sst s7  }
0x10: {  	[smem:$0x3FB6] =	sst s8  }
0x11: {  	[smem:$0x3FB7] =	sst s9;
	s0 =	simm.s32 @!p0 $0x0  }
0x12: {  	s1 =	sld [smem:$0x3F9D];
	s0 =	simm.s32 @p0 $0x1  }
0x13: {  	[smem:$0x3FB8] =	sst s0;
	s0 =	simm.s32 @!p1 $0x0  }
0x14: {  	s2 =	sld [smem:$0x3F9C];
	s0 =	simm.s32 @p1 $0x1  }
0x15: {  	[smem:$0x3FB9] =	sst s0;
	s0 =	simm.s32 @!p2 $0x0  }
0x16: {  	s3 =	sld [smem:$0x3FDB];
	s0 =	simm.s32 @p2 $0x1  }
0x17: {  	s4 =	simm.s32 $0x1BF5;
	[smem:$0x3FBB] =	sst s0  }
0x18: {  	s0 =	sld [smem:$0x3F9E];
	_ =	swait.ge [sflag:s4], $0x0  }
0x19: {  	s7 =	sld [smem:$0x3F9F]  }
0x1a: {  	s8 =	sadd.s32 $0xFFFFE003, lr  }
0x1b: {  	s9 =	sadd.s32 $0xFFFFFEF7, lr;
	s5 =	simm.s32 $0xFFFFFFFF;
	p2 =	slt.u32 s8, $0xFFFFF086  }
0x1c: {  	p1 =	slt.u32 s9, $0xF7A;
	s5 =	simm.s32 @!p2 $0x0  }
0x1d: {  	s5 =	simm.s32 @p1 $0x1;
	p0 =	seq.s32 s7, s2  }
0x1e: {  	s7 =	smul.u32 @!p0 $0xF7A, s2;
	p2 =	seq.s32 @!p0 s5, $0x0  }
0x1f: {  	s9 =	smul.u32 $0xF7A, s1;
	s8 =	simm.s32 @!p0 $0x1BF5;
	p2 =	por !p2, p0  }
0x20: {  	[sflag:s8] =	ssyncset.s32 @!p0 $0xFFFFF086;
	s6 =	sadd.s32 @!p0 s3, s7;
	s7 =	simm.s32 @!p0 $0x108  }
0x21: {  	s3 =	sadd.s32 s3, s9;
	s6 =	sadd.s32 @!p0 $0x88, s6;
	s7 =	simm.s32 @p2 $0x1082  }
0x22: {  	[simem:s7], [sflag:s8] =	dma.local @!p0 [hbm:s6], $0xF7A  }
0x23: {  	s9 =	sor.u32 $0xD0000000, s2;
	s6 =	simm.s32 $0x108;
	_ =	swait.ge @!p0 [sflag:s8], $0x0  }
0x24: {  	s3 =	sadd.s32 $0x88, s3;
	s6 =	simm.s32 @!p1 $0x1082;
	[sflag:s4] =	ssyncset.s32 $0xFFFFF086  }
0x25: {  	[simem:s6], [sflag:s4] =	dma.local [hbm:s3], $0xF7A  }
0x26: {  	[smem:$0x3F9F] =	sst s1;
	(tag) =	ssettag s2;
	_ =	strace s9  }
0x27: {  	s1 =	sld [smem:$0x3FAF]  }
0x28: {  	s2 =	sld [smem:$0x3FB0]  }
0x29: {  	s4 =	sld [smem:$0x3FB2]  }
0x2a: {  	p0 =	seq.s32 s5, $0x0;
	s5 =	sld [smem:$0x3FB3]  }
0x2b: {  	s6 =	sld [smem:$0x3FB4]  }
0x2c: {  	s7 =	sld [smem:$0x3FB5]  }
0x2d: {  	s3 =	simm.s32 $0x108;
	s8 =	sld [smem:$0x3FB6]  }
0x2e: {  	s3 =	simm.s32 @!p0 $0x1082;
	s9 =	sld [smem:$0x3FB7]  }
0x2f: {  	lr =	sadd.s32 s0, s3;
	s0 =	sld [smem:$0x3FAE]  }
0x30: {  	s3 =	sld [smem:$0x3FB1]  }
0x31: {  	[smem:$0x3FBA] =	sst s10  }
0x32: {  	s10 =	sld [smem:$0x3FB8];
	_ =	sdelay $0x3  }
0x33: {  	p0 =	seq.s32 s10, $0x1;
	s10 =	sld [smem:$0x3FBA];
	_ =	sdelay $0x3  }
0x34: {  	[smem:$0x3FBA] =	sst s10  }
0x35: {  	s10 =	sld [smem:$0x3FB9];
	_ =	sdelay $0x3  }
0x36: {  	p1 =	seq.s32 s10, $0x1;
	s10 =	sld [smem:$0x3FBA];
	_ =	sdelay $0x3  }
0x37: {  	[smem:$0x3FBA] =	sst s10  }
0x38: {  	s10 =	sld [smem:$0x3FBB]  }
0x39: {  	_ = 	snop;
	(pc) =	sbr.ind lr, $3  }
0x3a: {  	_ = 	snop  }
0x3b: {  	_ = 	snop  }
0x3c: {  	p2 =	seq.s32 s10, $0x1;
	s10 =	sld [smem:$0x3FBA]  }
0x3d: {  	_ =	shalt  }
0x3e: {  	_ =	shalt  }
0x3f: {  	_ =	shalt  }
0x40: {  	_ =	shalt  }
0x41: {  	_ =	shalt  }
0x42: {  	_ =	shalt  }
0x43: {  	_ =	shalt  }
0x44: {  	_ =	shalt  }
0x45: {  	_ =	shalt  }
0x46: {  	_ =	shalt  }
0x47: {  	_ =	shalt  }
0x48: {  	_ =	shalt  }
0x49: {  	_ =	shalt  }
0x4a: {  	_ =	shalt  }
0x4b: {  	_ =	shalt  }
0x4c: {  	_ =	shalt  }
0x4d: {  	_ =	shalt  }
0x4e: {  	_ =	shalt  }
0x4f: {  	_ =	shalt  }
0x50: {  	_ =	shalt  }
0x51: {  	_ =	shalt  }
0x52: {  	_ =	shalt  }
0x53: {  	_ =	shalt  }
0x54: {  	_ =	shalt  }
0x55: {  	_ =	shalt  }
0x56: {  	_ =	shalt  }
0x57: {  	_ =	shalt  }
0x58: {  	_ =	shalt  }
0x59: {  	_ =	shalt  }
0x5a: {  	_ =	shalt  }
0x5b: {  	_ =	shalt  }
0x5c: {  	_ =	shalt  }
0x5d: {  	_ =	shalt  }
0x5e: {  	_ =	shalt  }
0x5f: {  	_ =	shalt  }
0x60: {  	_ =	shalt  }
0x61: {  	_ =	shalt  }
0x62: {  	_ =	shalt  }
0x63: {  	_ =	shalt  }
0x64: {  	_ =	shalt  }
0x65: {  	_ =	shalt  }
0x66: {  	_ =	shalt  }
0x67: {  	_ =	shalt  }
0x68: {  	_ =	shalt  }
0x69: {  	_ =	shalt  }
0x6a: {  	_ =	shalt  }
0x6b: {  	_ =	shalt  }
0x6c: {  	_ =	shalt  }
0x6d: {  	_ =	shalt  }
0x6e: {  	_ =	shalt  }
0x6f: {  	_ =	shalt  }
0x70: {  	_ =	shalt  }
0x71: {  	_ =	shalt  }
0x72: {  	_ =	shalt  }
0x73: {  	_ =	shalt  }
0x74: {  	_ =	shalt  }
0x75: {  	_ =	shalt  }
0x76: {  	_ =	shalt  }
0x77: {  	_ =	shalt  }
0x78: {  	_ =	shalt  }
0x79: {  	_ =	shalt  }
0x7a: {  	_ =	shalt  }
0x7b: {  	_ =	shalt  }
0x7c: {  	_ =	shalt  }
0x7d: {  	_ =	shalt  }
0x7e: {  	_ =	shalt  }
0x7f: {  	_ =	shalt  }
0x80: {  	_ =	shalt  }
0x81: {  	_ =	shalt  }
0x82: {  	_ =	shalt  }
0x83: {  	_ =	shalt  }
0x84: {  	_ =	shalt  }
0x85: {  	_ =	shalt  }
0x86: {  	_ =	shalt  }
0x87: {  	_ =	shalt  }
.Lfunc_end0:
.L_simem_size_0:
called_computation_lowered:
.L_overlay_start_0:
0x88: {  	s2 =	sld [smem:$0x3FD9]  }
0x89: {  	s3 =	sld [smem:$0x3FFE];
	_ =	sdelay $0x1  }
0x8a: {  	s1 =	srdreg.scid  }
0x8b: {  	s0 =	sand.u32 $0x1, s1  }
0x8c: {  	s14 =	sshll.u32 s0, $0xA;
	s2 =	sadd.s32 s3, s2  }
0x8d: {  	s2 =	sadd.s32 s2, s14  }
0x8e: {  	[smem:$0x3FC6] =	sst s2  }
0x8f: {  	_ = 	snop  }
0x90: {  	s2 =	sld [smem:$0x3FD0];
	_ =	sdelay $0x2  }
0x91: {  	s15 =	simm.s32 $0xA;
	s4 =	simm.s32 $0x10  }
0x92: {  	[smem:s4], [sflag:s15] =	dma.local [hbm:s2], $0x1  }
0x93: {  	_ =	swait.eq [sflag:s15], $0x1  }
0x94: {  	[sflag:s15] =	ssyncset.done $0x0  }
0x95: {  	[sflag:s15] =	ssyncadd.s32 $0xFFFFFFFF  }
0x96: {  	s16 =	sld [smem:$0x11];
	(tm) =	ssettm $0x1  }
0x97: {  	s17 =	sld [smem:$0x3FFB];
	_ =	sdelay $0x3  }
0x98: {  	_ =	strace s17  }
0x99: {  	s3 =	sld [smem:$0x3FFC];
	_ =	sdelay $0x3  }
0x9a: {  	_ =	strace s3  }
0x9b: {  	s3 =	sld [smem:$0x3FFD];
	_ =	sdelay $0x3  }
0x9c: {  	_ =	strace s3  }
0x9d: {  	_ =	strace $0x8FFFFFFF  }
0x9e: {  	s18 =	sld [smem:$0x3FDB];
	_ =	sdelay $0x1  }
0x9f: {  	s19 =	simm.s32 $_scs_section_size  }
0xa0: {  	s5 =	simm.s32 $_size__tile_overlayer_lowered;
	s6 =	simm.s32 $_tile_overlayer_lowered  }
0xa1: {  	s22 =	simm.s32 $0x1BFF;
	s21 =	sshll.u32 s6, $0x1;
	s3 =	sadd.s32 s19, s18  }
0xa2: {  	s7 =	simm.s32 $0x0;
	s20 =	sshll.u32 s5, $0x1;
	s5 =	sadd.s32 s21, s3  }
0xa3: {  	[timem:s7], [sflag:s22] =	dma.local [hbm:s5], s20  }
0xa4: {  	_ =	swait.ge [sflag:s22], s20  }
0xa5: {  	s4 =	ssub.s32 $0x0, s20;
	[sflag:s22] =	ssyncset.done $0x0  }
0xa6: {  	[sflag:s22] =	ssyncadd.s32 s4;
	_ =	sdelay $0x1  }
0xa7: {  	s23 =	simm.s32 $0x1B8B  }
0xa8: {  	_ =	swait.ge [sflag:s23], $0x1  }
0xa9: {  	[sflag:s23] =	ssyncset.done $0x0  }
0xaa: {  	s25 =	simm.s32 $0x1B8E;
	s24 =	sld [smem:$0x3FFE];
	[sflag:s23] =	ssyncadd.s32 $0xFFFFFFFF  }
0xab: {  	s26 =	simm.s32 $execute0_lowered;
	[smem:$0x3FD2] =	sst s25  }
0xac: {  	s5 =	sshll.u32 s26, $0x1;
	_ =	strace $0x80000046;
	[dreg:$0x1] =	wrdreg $0xFFFFFFFF  }
0xad: {  	s28 =	simm.s32 $_size_execute0_lowered;
	s3 =	sadd.s32 s3, s5;
	[dreg:$0x0] =	wrdreg $0x0  }
0xae: {  	s5 =	sshll.u32 s28, $0x1;
	[dreg:$0x2] =	wrdreg s3  }
0xaf: {  	[dreg:$0x3] =	wrdreg s5  }
0xb0: {  	[dreg:$0x4] =	wrdreg $0xC0  }
0xb1: {  	_ =	task [dreg:s7], $0x5FFFF  }
0xb2: {  	[dreg:$0x1] =	wrdreg $0xFFFFFFFF  }
0xb3: {  	[dreg:$0x0] =	wrdreg $0x60  }
0xb4: {  	[dreg:$0x2] =	wrdreg s24  }
0xb5: {  	[dreg:$0x3] =	wrdreg s16  }
0xb6: {  	[dreg:$0x4] =	wrdreg $0x9  }
0xb7: {  	_ =	task.clear_ibuf [dreg:s7], $0x5FFFF;
	_ =	strace $0x90000046  }
0xb8: {  	s29 =	simm.s32 $0x9;
	_ =	strace $0x80000048  }
0xb9: {  	_ =	swait.ge [sflag:s29], $0x1  }
0xba: {  	[sflag:s29] =	ssyncadd.s32 $0xFFFFFFFF  }
0xbb: {  	_ =	strace $0x90000048  }
0xbc: {  	_ =	sfence  }
0xbd: {  	s30 =	sld [smem:$0x0];
	_ =	sdelay $0x2  }
0xbe: {  	s31 =	sshll.u32 s1, $0xD;
	s1 =	sshrl.u32 s1, $0x2  }
0xbf: {  	s3 =	sand.u32 $0x4000, s31;
	s1 =	sadd.s32 s1, s30  }
0xc0: {  	s0 =	sor.u32 s3, s0;
	s1 =	sshll.u32 s1, $0x11  }
0xc1: {  	s0 =	sor.u32 s1, s0  }
0xc2: {  	s0 =	sadd.s32 $0x8F2B, s0  }
0xc3: {  	[sflag:s0] =	ssyncadd.remote.s32 $0x1  }
0xc4: {  	_ =	sfence.sel $0xFFFF  }
0xc5: {  	[dreg:$0x0] =	wrdreg $0xFFFFFFFF;
	(pc) =	sbr.abs _section_cstart, $3  }
0xc6: {  	[dreg:$0x1] =	wrdreg $0xFFFFFFFF  }
0xc7: {  	_ =	task.clear_ibuf [dreg:s7], $0x2FFFF;
	_ =	strace $0x9FFFFFFF  }
0xc8: {  	(tm) =	ssettm $0x7FFFFFFF  }
0xc9: {  	_ =	shalt  }
tec
execute0_lowered:
.L_overlay_start_1:
0x0: {  	(tag) =	ssettag $0x1  }
0x1: {  	s2 =	rddreg [dreg:$0x0]  }
0x2: {  	s1 =	srdreg.scid;
	s0 =	stileid.u32  }
0x3: {  	s10 =	rddreg [dreg:$0x1];
	s11 =	sand.u32 $0x1, s1;
	s4 =	sshll.u32 s0, $0x1  }
0x4: {  	s3 =	simm.s32 $0x0;
	s1 =	rddreg [dreg:$0x2];
	s12 =	sor.u32 s11, s4  }
0x5: {  	[smem:$0x7FF] =	sst s3;
	s4 =	sshll.u32 s12, $0x5  }
0x6: {  	_ =	strace $0x80000047;
	s5 =	sadd.s32 s10, s4;
	s4 =	simm.s32 $0x2  }
0x7: {  	[tilespmem:s3], [sflag:$0x2] =	stream.linear.gather [hbm4b:s5+s3], $0x80, $0x38;
	[tilespmem:$0x3880] =	vst v63  }
0x8: {  	_ =	swait.ge [sflag:s4], $0x80  }
0x9: {  	s6 =	simm.s32 $0x70;
	[sflag:s4] =	ssyncset.done $0x0  }
0xa: {  	s7 =	simm.s32 $0x80;
	s8 =	simm.s32 $0x1;
	[sflag:s4] =	ssyncadd.s32 $0xFFFFFF80  }
0xb: {  	[tilespmem:s7], [sflag:$0x1] =	stream.indirect.gather [hbm4b:s2+s6], $0x80, s3, s6, $0xb8;
	[tilespmem:$0x3880] =	vst v63  }
0xc: {  	s9 =	smul.u32 $0xE00, s12;
	_ =	swait.ge [sflag:s8], $0x3800  }
0xd: {  	s13 =	sadd.s32 $0x35E00, s2;
	s14 =	sshll.u32 s0, $0x6;
	[sflag:s8] =	ssyncset.done $0x0  }
0xe: {  	s12 =	sshllo.u32 s12, $0x1;
	s9 =	sadd.s32 s13, s9;
	[sflag:s8] =	ssyncadd.s32 $0xFFFFC800  }
0xf: {  	[hbm4b:s9+s3] =	stream.linear.scatter [tilespmem:s7], [sflag:$0x2], $0x3800, $0x38;
	[tilespmem:$0x3880] =	vst v63  }
0x10: {  	s14 =	sand.u32 $0x380, s14;
	s15 =	sshll.u32 s12, $0x4;
	_ =	swait.ge [sflag:s4], $0x3800  }
0x11: {  	s10 =	sadd.s32 s10, s14;
	s29 =	sand.u32 $0x70, s15;
	[sflag:s4] =	ssyncset.done $0x0  }
0x12: {  	s11 =	ssub.s32 $0x2, s11;
	s10 =	sadd.s32 s29, s10;
	[sflag:s4] =	ssyncadd.s32 $0xFFFFC800  }
0x13: {  	[tilespmem:s3], [sflag:$0x2] =	stream.linear.gather [hbm4b:s10+s3], $0x80, $0x38;
	[tilespmem:$0x3880] =	vst v63  }
0x14: {  	s30 =	sshrl.u32 s11, $0x1;
	_ =	swait.ge [sflag:s4], $0x80  }
0x15: {  	s14 =	ssub.s32 s11, s30;
	[sflag:s4] =	ssyncset.done $0x0  }
0x16: {  	s31 =	smax.u32 s14, $0x1;
	[sflag:s4] =	ssyncadd.s32 $0xFFFFFF80  }
0x17: {  	[tilespmem:s7], [sflag:$0x1] =	stream.indirect.gather [hbm4b:s2+s6], $0x80, s3, s6, $0xb8;
	[tilespmem:$0x3880] =	vst v63  }
0x18: {  	s12 =	smul.u32 $0x700, s12;
	p0 =	sne.s32 s31, $0x1;
	_ =	swait.ge [sflag:s8], $0x3800  }
.Ltmp0:
0x19: {  	[sflag:s8] =	ssyncset.done $0x0;
	(pc) =	sbr.rel @!p0 .LBB2_2-.Ltmp0, $4  }
0x1a: {  	s11 =	sadd.s32 s13, s12;
	[sflag:s8] =	ssyncadd.s32 $0xFFFFC800  }
0x1b: {  	[hbm4b:s11+s3] =	stream.linear.scatter [tilespmem:s7], [sflag:$0x2], $0x3800, $0x38;
	[tilespmem:$0x3880] =	vst v63  }
0x1c: {  	_ =	swait.ge [sflag:s4], $0x3800  }
0x1d: {  	s12 =	sadd.s32 $0xFFFFFFFF, s31;
	[sflag:s4] =	ssyncset.done $0x0  }
.LBB2_1:
0x1e: {  	p0 =	sne.s32 s12, $0x1;
	s12 =	sadd.s32 $0xFFFFFFFF, s12;
	[sflag:s4] =	ssyncadd.s32 $0xFFFFC800  }
0x1f: {  	[tilespmem:s3], [sflag:$0x2] =	stream.linear.gather [hbm4b:s5+s3], $0x80, $0x38;
	[tilespmem:$0x3880] =	vst v63  }
0x20: {  	_ =	swait.ge [sflag:s4], $0x80  }
0x21: {  	[sflag:s4] =	ssyncset.done $0x0  }
0x22: {  	[sflag:s4] =	ssyncadd.s32 $0xFFFFFF80  }
0x23: {  	[tilespmem:s7], [sflag:$0x1] =	stream.indirect.gather [hbm4b:s2+s6], $0x80, s3, s6, $0xb8;
	[tilespmem:$0x3880] =	vst v63  }
0x24: {  	_ =	swait.ge [sflag:s8], $0x3800  }
0x25: {  	[sflag:s8] =	ssyncset.done $0x0  }
0x26: {  	[sflag:s8] =	ssyncadd.s32 $0xFFFFC800  }
0x27: {  	[hbm4b:s9+s3] =	stream.linear.scatter [tilespmem:s7], [sflag:$0x2], $0x3800, $0x38;
	[tilespmem:$0x3880] =	vst v63  }
0x28: {  	_ =	swait.ge [sflag:s4], $0x3800  }
0x29: {  	[sflag:s4] =	ssyncset.done $0x0  }
0x2a: {  	[sflag:s4] =	ssyncadd.s32 $0xFFFFC800  }
0x2b: {  	[tilespmem:s3], [sflag:$0x2] =	stream.linear.gather [hbm4b:s10+s3], $0x80, $0x38;
	[tilespmem:$0x3880] =	vst v63  }
0x2c: {  	_ =	swait.ge [sflag:s4], $0x80  }
0x2d: {  	[sflag:s4] =	ssyncset.done $0x0  }
0x2e: {  	[sflag:s4] =	ssyncadd.s32 $0xFFFFFF80  }
0x2f: {  	[tilespmem:s7], [sflag:$0x1] =	stream.indirect.gather [hbm4b:s2+s6], $0x80, s3, s6, $0xb8;
	[tilespmem:$0x3880] =	vst v63  }
0x30: {  	_ =	swait.ge [sflag:s8], $0x3800  }
.Ltmp1:
0x31: {  	[sflag:s8] =	ssyncset.done $0x0;
	(pc) =	sbr.rel @p0 .LBB2_1-.Ltmp1, $4  }
0x32: {  	[sflag:s8] =	ssyncadd.s32 $0xFFFFC800  }
0x33: {  	[hbm4b:s11+s3] =	stream.linear.scatter [tilespmem:s7], [sflag:$0x2], $0x3800, $0x38;
	[tilespmem:$0x3880] =	vst v63  }
0x34: {  	_ =	swait.ge [sflag:s4], $0x3800  }
0x35: {  	[sflag:s4] =	ssyncset.done $0x0  }
.LBB2_2:
0x36: {  	[sflag:s4] =	ssyncadd.s32 $0xFFFFC800  }
0x37: {  	_ =	sfence.sel $0x180000  }
0x38: {  	[bflag:$0x0] =	sbarrier.arrive $0xFFFF  }
0x39: {  	p0 =	sne.s32 s0, $0x0;
	_ =	strace $0x90000047  }
0x3a: {  	s0 =	sadd.s32 @!p0 $0x100000, s1;
	[bflag:$0x2] =	sbarrier.arrive $0xFFFF  }
0x3b: {  	[sflag:s0] =	ssyncadd.tile.s32 @!p0 $0x1;
	_ =	shalt  }
.Lfunc_end2:
_tile_overlayer_lowered:
.L_overlay_start_2:
0x3c: {  	(tag) =	ssettag $0x2  }
0x3d: {  	s0 =	rddreg [dreg:$0x0];
	s2 =	stileid.u32  }
0x3e: {  	s1 =	rddreg [dreg:$0x1];
	p0 =	sne.s32 s2, $0x0  }
0x3f: {  	s3 =	rddreg [dreg:$0x2];
	[bflag:$0x3] =	sbarrier.arrive $0xFFFF;
	s2 =	simm.s32 @!p0 $0x1C02  }
0x40: {  	[timem:s3], [sflag:s2] =	dma.local @!p0 [hbm:s0], s1  }
0x41: {  	s0 =	simm.s32 @!p0 $0x2  }
0x42: {  	_ =	swait.ge @!p0 [sflag:s0], s1  }
0x43: {  	s1 =	ssub.s32 @!p0 $0x0, s1;
	[sflag:s0] =	ssyncset.done @!p0 $0x0  }
0x44: {  	[sflag:s0] =	ssyncadd.s32 @!p0 s1  }
0x45: {  	[bflag:$0x3] =	sbarrier.arrive $0xFFFF  }
0x46: {  	_ =	shalt  }

</sc_bundles>
